<compile_context>
chip_gen: v7x
topology: tpu7x:2x2x1
jax: 0.10.2.dev20260603
libtpu: 0.0.44.dev20260713+nightly
codegen_flags: <defaults>
</compile_context>

<pallas_src>
import functools
import math

import jax
import jax.numpy as jnp
from jax import lax
from jax.experimental import pallas as pl
from jax.experimental.pallas import tpu as pltpu
from jax.experimental.pallas import tpu_sc as plsc

_NC = 2
_NS = 16
_NW = _NC * _NS

_CAP_FACTOR = 1.0
_MIN_CAP = 4


def _stage_a_body(cap, n_blk,
                  x_ref, wenc_ref, benc_ref, wgate_ref,
                  wcoef_ref, bcoef_ref,
                  h_ref, slotd_ref, slotg_ref, wcb_ref, c1_ref,
                  counts_ref):
    i = pl.program_id(0)

    @pl.when(i == 0)
    def _init():
        counts_ref[...] = jnp.zeros_like(counts_ref)

    bn = x_ref.shape[0]
    e = wgate_ref.shape[1]
    f32 = jnp.float32
    bf16 = jnp.bfloat16

    h = jnp.maximum(x_ref[...] @ wenc_ref[...] + benc_ref[...], 0.0)
    hb = h.astype(bf16)
    d_half = h.shape[1] // 2
    lo = lax.bitcast_convert_type(
        hb[:, :d_half].astype(f32), jnp.uint32)
    hi = lax.bitcast_convert_type(
        hb[:, d_half:].astype(f32), jnp.uint32)
    packed = (hi & jnp.uint32(0xFFFF0000)) | (lo >> 16)
    h_ref[...] = lax.bitcast_convert_type(packed, f32)

    logits = h @ wgate_ref[...]
    lmax = jnp.max(logits, axis=1, keepdims=True)
    gates1 = 1.0 / jnp.sum(jnp.exp(logits - lmax), axis=1, keepdims=True)
    iota_e = lax.broadcasted_iota(jnp.int32, (bn, e), 1).astype(f32)
    is_max = logits >= lmax
    idxf = jnp.min(jnp.where(is_max, iota_e, float(e)), axis=1, keepdims=True)
    maskf = (iota_e == idxf).astype(f32)

    r = lax.broadcasted_iota(jnp.int32, (bn, bn), 0)
    c = lax.broadcasted_iota(jnp.int32, (bn, bn), 1)
    tril = (c <= r).astype(f32)
    csum = jax.lax.dot(tril, maskf)

    loc = csum - 1.0 + counts_ref[...]
    loc_tok = jnp.sum(loc * maskf, axis=1, keepdims=True)
    keep = loc_tok < float(cap)
    counts_ref[...] = counts_ref[...] + csum[bn - 1:bn, :]

    slot = idxf * float(cap) + loc_tok
    dummy = float(e * cap)
    slotd_ref[...] = jnp.where(keep, slot, dummy).astype(jnp.int32)
    slotg_ref[...] = jnp.where(keep, slot, 0.0).astype(jnp.int32)

    cl = h @ wcoef_ref[...] + bcoef_ref[...]
    c0 = 1.0 / (1.0 + jnp.exp(cl[:, 1:2] - cl[:, 0:1]))
    c1 = 1.0 - c0
    wc = jnp.where(keep, gates1 * c0, 0.0)
    wcb_ref[...] = jnp.broadcast_to(wc, (bn, 16))
    c1_ref[...] = jnp.broadcast_to(c1, (bn, 16))


def _encode_route(x, w_enc, b_enc, w_gate, w_coef, b_coef, cap):
    n, d_in = x.shape
    d_h = w_enc.shape[1]
    e = w_gate.shape[1]
    bn = 512
    n_blk = n // bn
    f32 = jnp.float32

    full = lambda shape: pl.BlockSpec(shape, lambda i: (0,) * len(shape))
    grid_spec = pltpu.PrefetchScalarGridSpec(
        num_scalar_prefetch=0,
        grid=(n_blk,),
        in_specs=[
            pl.BlockSpec((bn, d_in), lambda i: (i, 0)),
            full((d_in, d_h)),
            full((1, d_h)),
            full((d_h, e)),
            full((d_h, 2)),
            full((1, 2)),
        ],
        out_specs=[
            pl.BlockSpec((bn, d_h // 2), lambda i: (i, 0)),
            pl.BlockSpec((bn, 1), lambda i: (i, 0)),
            pl.BlockSpec((bn, 1), lambda i: (i, 0)),
            pl.BlockSpec((bn, 16), lambda i: (i, 0)),
            pl.BlockSpec((bn, 16), lambda i: (i, 0)),
        ],
        scratch_shapes=[pltpu.VMEM((1, e), f32)],
    )
    out_shape = [
        jax.ShapeDtypeStruct((n, d_h // 2), f32),
        jax.ShapeDtypeStruct((n, 1), jnp.int32),
        jax.ShapeDtypeStruct((n, 1), jnp.int32),
        jax.ShapeDtypeStruct((n, 16), f32),
        jax.ShapeDtypeStruct((n, 16), f32),
    ]
    return pl.pallas_call(
        functools.partial(_stage_a_body, cap, n_blk),
        grid_spec=grid_spec,
        out_shape=out_shape,
    )(x, w_enc, b_enc.reshape(1, d_h), w_gate,
      w_coef, b_coef.reshape(1, 2))


def _unpack_bf16_pairs(packed):
    f32 = jnp.float32
    u = lax.bitcast_convert_type(packed, jnp.uint32)
    lo = lax.bitcast_convert_type(u << 16, f32)
    hi = lax.bitcast_convert_type(u & jnp.uint32(0xFFFF0000), f32)
    return jnp.concatenate([lo, hi], axis=1)


def _residual_body(h_ref, c1_ref, wres_ref, bres_ref, wdec_ref, bdec_ref,
                   base_ref):
    f32 = jnp.float32
    bf16 = jnp.bfloat16
    hb = _unpack_bf16_pairs(h_ref[...]).astype(bf16)
    mlp = jax.lax.dot(hb, wres_ref[...].astype(bf16),
                      preferred_element_type=f32) + bres_ref[...]
    c1 = c1_ref[:, :1]
    base_ref[...] = jax.lax.dot((c1 * mlp).astype(bf16),
                                wdec_ref[...].astype(bf16),
                                preferred_element_type=f32) + bdec_ref[...]


def _residual(h_packed, c1b, w_res, b_res, w_dec, b_dec):
    n = h_packed.shape[0]
    d_h = w_res.shape[0]
    d_in = w_dec.shape[1]
    bn = 512
    full = lambda shape: pl.BlockSpec(shape, lambda i: (0,) * len(shape))
    return pl.pallas_call(
        _residual_body,
        grid=(n // bn,),
        in_specs=[
            pl.BlockSpec((bn, d_h // 2), lambda i: (i, 0)),
            pl.BlockSpec((bn, 16), lambda i: (i, 0)),
            full((d_h, d_h)),
            full((1, d_h)),
            full((d_h, d_in)),
            full((1, d_in)),
        ],
        out_specs=pl.BlockSpec((bn, d_in), lambda i: (i, 0)),
        out_shape=jax.ShapeDtypeStruct((n, d_in), jnp.float32),
    )(h_packed, c1b, w_res, b_res.reshape(1, d_h), w_dec,
      b_dec.reshape(1, d_in))


def _expert_combine_body(e, cap,
                         d_ref, wexp_ref, bexp_ref, wdec_ref,
                         base_ref, wcb_ref, slotg_ref,
                         out_ref, z_scratch):
    f32 = jnp.float32
    bf16 = jnp.bfloat16
    i = pl.program_id(0)

    @pl.when(i < e)
    def _experts():
        d = _unpack_bf16_pairs(d_ref[...])
        d = jnp.where(jnp.abs(d) < 1e4, d, 0.0).astype(bf16)
        y = jax.lax.dot(d, wexp_ref[0].astype(bf16),
                        preferred_element_type=f32) + bexp_ref[0]
        z = jax.lax.dot(y.astype(bf16), wdec_ref[...].astype(bf16),
                        preferred_element_type=f32).astype(bf16)
        z_scratch[pl.ds(i * cap, cap), :] = z

    @pl.when(i >= e)
    def _combine():
        bn = base_ref.shape[0]
        n_z = z_scratch.shape[0]
        iota_c = lax.broadcasted_iota(jnp.int32, (bn, n_z), 1)
        onehot = (iota_c == slotg_ref[...]).astype(bf16)
        sel = jax.lax.dot(onehot, z_scratch[...],
                          preferred_element_type=f32)
        out_ref[...] = base_ref[...] + wcb_ref[:, :1] * sel


def _expert_combine(disp, w_exp, b_exp, w_dec, base, wcb, slot_g2d, cap):
    e, d_h, _ = w_exp.shape
    d_in = w_dec.shape[1]
    n = base.shape[0]
    bn = 512
    n_blk = n // bn
    f32 = jnp.float32
    exp_i = lambda i: jnp.minimum(i, e - 1)
    tok_i = lambda i: jnp.maximum(i - e, 0)
    return pl.pallas_call(
        functools.partial(_expert_combine_body, e, cap),
        grid=(e + n_blk,),
        in_specs=[
            pl.BlockSpec((cap, d_h // 2), lambda i: (exp_i(i), 0)),
            pl.BlockSpec((1, d_h, d_h), lambda i: (exp_i(i), 0, 0)),
            pl.BlockSpec((1, 1, d_h), lambda i: (exp_i(i), 0, 0)),
            pl.BlockSpec((d_h, d_in), lambda i: (0, 0)),
            pl.BlockSpec((bn, d_in), lambda i: (tok_i(i), 0)),
            pl.BlockSpec((bn, 16), lambda i: (tok_i(i), 0)),
            pl.BlockSpec((bn, 1), lambda i: (tok_i(i), 0)),
        ],
        out_specs=pl.BlockSpec((bn, d_in), lambda i: (tok_i(i), 0)),
        out_shape=jax.ShapeDtypeStruct((n, d_in), f32),
        scratch_shapes=[pltpu.VMEM((e * cap, d_in), jnp.bfloat16)],
    )(disp, w_exp, b_exp.reshape(e, 1, d_h), w_dec, base, wcb, slot_g2d)


def _sc_scatter(h, slot_d, n_rows):
    n, width = h.shape
    per_w = n // _NW
    mesh = plsc.VectorSubcoreMesh(core_axis_name="c", subcore_axis_name="s")

    @functools.partial(
        pl.kernel,
        mesh=mesh,
        out_type=jax.ShapeDtypeStruct((n_rows, width), jnp.float32),
        scratch_types=[
            pltpu.VMEM((1, per_w), jnp.int32),
            pltpu.VMEM((per_w, width), jnp.float32),
            pltpu.SemaphoreType.DMA,
            pltpu.SemaphoreType.DMA,
        ],
    )
    def k(h_hbm, slot_hbm, d_hbm, idx_v, rows_v, sem_l, sem_s):
        wid = lax.axis_index("s") * _NC + lax.axis_index("c")
        l0 = pltpu.async_copy(h_hbm.at[pl.ds(wid * per_w, per_w)], rows_v,
                              sem_l)
        pltpu.sync_copy(slot_hbm.at[wid], idx_v.at[0])
        l0.wait()
        pltpu.async_copy(rows_v, d_hbm.at[idx_v.at[0]], sem_s).wait()

    return k(h, slot_d)




def kernel(x, W_enc, b_enc, W_gate, W_exp, b_exp, W_res, b_res,
           W_coef, b_coef, W_dec, b_dec):
    n, d_in = x.shape
    e = W_gate.shape[1]
    cap = max(int(math.ceil(n / e * _CAP_FACTOR)), _MIN_CAP)
    n_rows = e * cap + 8

    d_h = W_enc.shape[1]
    h, slot_d, slot_g, wcb, c1b = _encode_route(
        x, W_enc, b_enc, W_gate, W_coef, b_coef, cap)
    slot_d = slot_d.reshape(_NW, n // _NW)
    disp = _sc_scatter(h, slot_d, n_rows)
    base = _residual(h, c1b, W_res, b_res, W_dec, b_dec)
    return _expert_combine(disp, W_exp, b_exp, W_dec, base, wcb, slot_g,
                           cap)

# --- scband reference (transcript-rebuilt; emitter-appended) ---
"""Pipeline reference for scband-multi-asset-mo-e-23081154249520 (READ-ONLY COPY).

The authoritative reference and input builder live on the scoring server;
editing this copy changes nothing except your own understanding.
"""

import jax, jax.numpy as jnp
import numpy as np

NUM_EXPERTS = 8
CAPACITY_FACTOR = 1.0
MIN_CAPACITY = 4


def setup_inputs(seed: int = 0) -> dict:
    key = jax.random.key(seed)
    ks = jax.random.split(key, 12)
    d_in, d_h, E = 128, 1024, NUM_EXPERTS
    N = 4096
    def s(k, sh, f):
        return jax.random.normal(k, sh, dtype=jnp.float32) * f
    return {
        "x": jax.random.normal(ks[0], (N, d_in), dtype=jnp.float32),
        "W_enc": s(ks[1], (d_in, d_h), 0.05),
        "b_enc": jnp.zeros((d_h,), jnp.float32),
        "W_gate": s(ks[2], (d_h, E), 0.05),
        "W_exp": s(ks[3], (E, d_h, d_h), 0.02),
        "b_exp": jnp.zeros((E, d_h), jnp.float32),
        "W_res": s(ks[4], (d_h, d_h), 0.02),
        "b_res": jnp.zeros((d_h,), jnp.float32),
        "W_coef": s(ks[5], (d_h, 2), 0.05),
        "b_coef": jnp.zeros((2,), jnp.float32),
        "W_dec": s(ks[6], (d_h, d_in), 0.02),
        "b_dec": jnp.zeros((d_in,), jnp.float32),
    }


def _top1_moe(h, W_gate, W_exp, b_exp):
    # DeepSpeed-style top-1 gating with capacity, token dropping, gate-prob scaling
    N, d = h.shape
    E = W_gate.shape[1]
    capacity = max(int(np.ceil(N / E * CAPACITY_FACTOR)), MIN_CAPACITY)
    logits = h @ W_gate  # gate has no bias
    gates = jax.nn.softmax(logits, axis=-1)
    idx1 = jnp.argmax(gates, axis=-1)
    mask1 = jax.nn.one_hot(idx1, E, dtype=h.dtype)
    locations = jnp.cumsum(mask1, axis=0) - 1.0
    mask1 = mask1 * (locations < capacity).astype(h.dtype)
    locations1 = jnp.sum(locations * mask1, axis=1).astype(jnp.int32)
    gates1 = jnp.sum(gates * mask1, axis=1)
    loc_oh = jax.nn.one_hot(locations1, capacity, dtype=h.dtype)
    combine = gates1[:, None, None] * mask1[:, :, None] * loc_oh[:, None, :]  # [S, E, C]
    dispatch = (combine > 0).astype(h.dtype)
    dispatched = jnp.einsum('sec,sm->ecm', dispatch, h)  # [E, C, d]
    expert_out = jnp.einsum('ecm,emn->ecn', dispatched, W_exp) + b_exp[:, None, :]
    out = jnp.einsum('sec,ecn->sn', combine, expert_out)
    return out


def reference(x, W_enc, b_enc, W_gate, W_exp, b_exp, W_res, b_res, W_coef, b_coef, W_dec, b_dec):
    h = jax.nn.relu(x @ W_enc + b_enc)
    moe_out = _top1_moe(h, W_gate, W_exp, b_exp)
    # use_residual=True: residual MLP expert + learned 2-way mixing coefficient
    mlp_out = h @ W_res + b_res
    coef = jax.nn.softmax(h @ W_coef + b_coef, axis=-1)
    mixed = moe_out * coef[:, 0:1] + mlp_out * coef[:, 1:2]
    return mixed @ W_dec + b_dec

if __name__ == "__main__":
    import jax
    _d = setup_inputs()
    print(jax.jit(kernel)(*tuple(_d.values())))

</pallas_src>

<mosaic_0001>
#map = affine_map<(d0, d1) -> (0, 0)>
module attributes {stable_mosaic.version = 14 : i64} {
  func.func @k(%arg0: i32, %arg1: i32, %arg2: memref<4096x512xf32, #tpu.memory_space<hbm>>, %arg3: memref<32x128xi32, #tpu.memory_space<hbm>>, %arg4: memref<4104x512xf32, #tpu.memory_space<hbm>>, %arg5: memref<1x128xi32, #tpu.memory_space<vmem>>, %arg6: memref<128x512xf32, #tpu.memory_space<vmem>>, %arg7: memref<!tpu.dma_semaphore, #tpu.memory_space<semaphore_mem>>, %arg8: memref<!tpu.dma_semaphore, #tpu.memory_space<semaphore_mem>>) attributes {dimension_semantics = [#tpu.dimension_semantics<core_parallel>, #tpu.dimension_semantics<subcore_parallel>], iteration_bounds = array<i64: 2, 16>, scalar_prefetch = 0 : i64, scratch_operands = 4 : i64, tpu.core_type = #tpu.core_type<sc_vector_subcore>, window_params = [{transform_indices = #map}, {transform_indices = #map}, {transform_indices = #map}]} {
    %mul3A = arith.constant 2 : i32
    %mul3A_0 = arith.muli %arg1, %mul3A : i32
    %add3A = arith.addi %mul3A_0, %arg0 : i32
    %mul3A_1 = arith.constant 128 : i32
    %mul3A_2 = arith.muli %add3A, %mul3A_1 : i32
    %dma_start3A = arith.constant 0 : i32
    %dma_start3A_3 = tpu.memref_slice %arg2[%mul3A_2, %dma_start3A] : memref<4096x512xf32, #tpu.memory_space<hbm>> -> memref<128x512xf32, #tpu.memory_space<hbm>>
    %dma_start3A_4 = arith.constant 0 : i32
    %dma_start3A_5 = tpu.memref_slice %arg2[%mul3A_2, %dma_start3A_4] : memref<4096x512xf32, #tpu.memory_space<hbm>> -> memref<128x512xf32, #tpu.memory_space<hbm>>
    tpu.enqueue_dma source(%dma_start3A_5 : memref<128x512xf32, #tpu.memory_space<hbm>>) target(%arg6 : memref<128x512xf32, #tpu.memory_space<vmem>>) target_semaphore(%arg7 : memref<!tpu.dma_semaphore, #tpu.memory_space<semaphore_mem>>)
    %run_scoped3A = arith.constant 0 : i32
    "tpu.region"() ({
      %run_scoped3A_23 = tpu.sem_alloc : memref<!tpu.dma_semaphore, #tpu.memory_space<semaphore_mem>>
      %dma_start3A_24 = arith.constant 0 : i32
      %dma_start3A_25 = tpu.memref_slice %arg5[%run_scoped3A, %dma_start3A_24] : memref<1x128xi32, #tpu.memory_space<vmem>> -> memref<1x128xi32, #tpu.memory_space<vmem>>
      %dma_start3A_26 = tpu.memref_squeeze %dma_start3A_25 : memref<1x128xi32, #tpu.memory_space<vmem>> -> memref<128xi32, #tpu.memory_space<vmem>>
      %dma_start3A_27 = arith.constant 0 : i32
      %dma_start3A_28 = tpu.memref_slice %arg3[%add3A, %dma_start3A_27] : memref<32x128xi32, #tpu.memory_space<hbm>> -> memref<1x128xi32, #tpu.memory_space<hbm>>
      %dma_start3A_29 = tpu.memref_squeeze %dma_start3A_28 : memref<1x128xi32, #tpu.memory_space<hbm>> -> memref<128xi32, #tpu.memory_space<hbm>>
      %dma_start3A_30 = arith.constant 0 : i32
      %dma_start3A_31 = tpu.memref_slice %arg5[%run_scoped3A, %dma_start3A_30] : memref<1x128xi32, #tpu.memory_space<vmem>> -> memref<1x128xi32, #tpu.memory_space<vmem>>
      %dma_start3A_32 = tpu.memref_squeeze %dma_start3A_31 : memref<1x128xi32, #tpu.memory_space<vmem>> -> memref<128xi32, #tpu.memory_space<vmem>>
      %dma_start3A_33 = arith.constant 0 : i32
      %dma_start3A_34 = tpu.memref_slice %arg3[%add3A, %dma_start3A_33] : memref<32x128xi32, #tpu.memory_space<hbm>> -> memref<1x128xi32, #tpu.memory_space<hbm>>
      %dma_start3A_35 = tpu.memref_squeeze %dma_start3A_34 : memref<1x128xi32, #tpu.memory_space<hbm>> -> memref<128xi32, #tpu.memory_space<hbm>>
      tpu.enqueue_dma source(%dma_start3A_35 : memref<128xi32, #tpu.memory_space<hbm>>) target(%dma_start3A_32 : memref<128xi32, #tpu.memory_space<vmem>>) target_semaphore(%run_scoped3A_23 : memref<!tpu.dma_semaphore, #tpu.memory_space<semaphore_mem>>)
      %dma_wait3A_36 = arith.constant 0 : i32
      %dma_wait3A_37 = tpu.memref_slice %arg5[%run_scoped3A, %dma_wait3A_36] : memref<1x128xi32, #tpu.memory_space<vmem>> -> memref<1x128xi32, #tpu.memory_space<vmem>>
      %dma_wait3A_38 = tpu.memref_squeeze %dma_wait3A_37 : memref<1x128xi32, #tpu.memory_space<vmem>> -> memref<128xi32, #tpu.memory_space<vmem>>
      %dma_wait3A_39 = arith.constant 0 : i32
      %dma_wait3A_40 = tpu.memref_slice %arg3[%add3A, %dma_wait3A_39] : memref<32x128xi32, #tpu.memory_space<hbm>> -> memref<1x128xi32, #tpu.memory_space<hbm>>
      %dma_wait3A_41 = tpu.memref_squeeze %dma_wait3A_40 : memref<1x128xi32, #tpu.memory_space<hbm>> -> memref<128xi32, #tpu.memory_space<hbm>>
      %dma_wait3A_42 = arith.constant 0 : i32
      %dma_wait3A_43 = tpu.memref_slice %arg5[%run_scoped3A, %dma_wait3A_42] : memref<1x128xi32, #tpu.memory_space<vmem>> -> memref<1x128xi32, #tpu.memory_space<vmem>>
      %dma_wait3A_44 = tpu.memref_squeeze %dma_wait3A_43 : memref<1x128xi32, #tpu.memory_space<vmem>> -> memref<128xi32, #tpu.memory_space<vmem>>
      %dma_wait3A_45 = arith.constant 0 : i32
      %dma_wait3A_46 = tpu.memref_slice %arg3[%add3A, %dma_wait3A_45] : memref<32x128xi32, #tpu.memory_space<hbm>> -> memref<1x128xi32, #tpu.memory_space<hbm>>
      %dma_wait3A_47 = tpu.memref_squeeze %dma_wait3A_46 : memref<1x128xi32, #tpu.memory_space<hbm>> -> memref<128xi32, #tpu.memory_space<hbm>>
      tpu.wait_dma2 semaphore(%run_scoped3A_23 : memref<!tpu.dma_semaphore, #tpu.memory_space<semaphore_mem>>) src(%dma_wait3A_47 : memref<128xi32, #tpu.memory_space<hbm>>) dst(%dma_wait3A_44 : memref<128xi32, #tpu.memory_space<vmem>>)
      tpu.yield
    }) : () -> ()
    %dma_wait3A = arith.constant 0 : i32
    %dma_wait3A_6 = tpu.memref_slice %arg2[%mul3A_2, %dma_wait3A] : memref<4096x512xf32, #tpu.memory_space<hbm>> -> memref<128x512xf32, #tpu.memory_space<hbm>>
    %dma_wait3A_7 = arith.constant 0 : i32
    %dma_wait3A_8 = tpu.memref_slice %arg2[%mul3A_2, %dma_wait3A_7] : memref<4096x512xf32, #tpu.memory_space<hbm>> -> memref<128x512xf32, #tpu.memory_space<hbm>>
    tpu.wait_dma2 semaphore(%arg7 : memref<!tpu.dma_semaphore, #tpu.memory_space<semaphore_mem>>) src(%dma_wait3A_8 : memref<128x512xf32, #tpu.memory_space<hbm>>) dst(%arg6 : memref<128x512xf32, #tpu.memory_space<vmem>>)
    %dma_start3A_9 = arith.constant 0 : i32
    %dma_start3A_10 = arith.constant 0 : i32
    %dma_start3A_11 = tpu.memref_slice %arg5[%dma_start3A_9, %dma_start3A_10] : memref<1x128xi32, #tpu.memory_space<vmem>> -> memref<1x128xi32, #tpu.memory_space<vmem>>
    %dma_start3A_12 = tpu.memref_squeeze %dma_start3A_11 : memref<1x128xi32, #tpu.memory_space<vmem>> -> memref<128xi32, #tpu.memory_space<vmem>>
    %dma_start3A_13 = arith.constant 0 : i32
    %dma_start3A_14 = arith.constant 0 : i32
    %dma_start3A_15 = tpu.memref_slice %arg4[%dma_start3A_13, %dma_start3A_14] : memref<4104x512xf32, #tpu.memory_space<hbm>> -> memref<4104x512xf32, #tpu.memory_space<hbm>>
    tpu.enqueue_indirect_dma source(%arg6 : memref<128x512xf32, #tpu.memory_space<vmem>>) target(%dma_start3A_15 : memref<4104x512xf32, #tpu.memory_space<hbm>>) offsets(%dma_start3A_12 : memref<128xi32, #tpu.memory_space<vmem>>) semaphore(%arg8 : memref<!tpu.dma_semaphore, #tpu.memory_space<semaphore_mem>>)
    %dma_wait3A_16 = arith.constant 0 : i32
    %dma_wait3A_17 = arith.constant 0 : i32
    %dma_wait3A_18 = tpu.memref_slice %arg5[%dma_wait3A_16, %dma_wait3A_17] : memref<1x128xi32, #tpu.memory_space<vmem>> -> memref<1x128xi32, #tpu.memory_space<vmem>>
    %dma_wait3A_19 = tpu.memref_squeeze %dma_wait3A_18 : memref<1x128xi32, #tpu.memory_space<vmem>> -> memref<128xi32, #tpu.memory_space<vmem>>
    %dma_wait3A_20 = arith.constant 0 : i32
    %dma_wait3A_21 = arith.constant 0 : i32
    %dma_wait3A_22 = tpu.memref_slice %arg4[%dma_wait3A_20, %dma_wait3A_21] : memref<4104x512xf32, #tpu.memory_space<hbm>> -> memref<4104x512xf32, #tpu.memory_space<hbm>>
    tpu.wait_indirect_dma semaphore(%arg8 : memref<!tpu.dma_semaphore, #tpu.memory_space<semaphore_mem>>) src(%arg6 : memref<128x512xf32, #tpu.memory_space<vmem>>) dst(%dma_wait3A_22 : memref<4104x512xf32, #tpu.memory_space<hbm>>)
    return
  }
}

module attributes {stable_mosaic.version = 14 : i64} {
  func.func @_stage_a_body(%arg0: i32, %arg1: memref<512x128xf32, #tpu.memory_space<vmem>>, %arg2: memref<128x1024xf32, #tpu.memory_space<vmem>>, %arg3: memref<1x1024xf32, #tpu.memory_space<vmem>>, %arg4: memref<1024x8xf32, #tpu.memory_space<vmem>>, %arg5: memref<1024x2xf32, #tpu.memory_space<vmem>>, %arg6: memref<1x2xf32, #tpu.memory_space<vmem>>, %arg7: memref<512x512xf32, #tpu.memory_space<vmem>>, %arg8: memref<512x1xi32, #tpu.memory_space<vmem>>, %arg9: memref<512x1xi32, #tpu.memory_space<vmem>>, %arg10: memref<512x16xf32, #tpu.memory_space<vmem>>, %arg11: memref<512x16xf32, #tpu.memory_space<vmem>>, %arg12: memref<1x8xf32, #tpu.memory_space<vmem>>) attributes {dimension_semantics = [#tpu.dimension_semantics<arbitrary>], iteration_bounds = array<i64: 8>, scalar_prefetch = 0 : i64, scratch_operands = 1 : i64, tpu.core_type = #tpu.core_type<tc>, window_params = [{transform_indices = @transform_0, window_bounds = array<i64: 512, 128>}, {pipeline_mode = #tpu.pipeline_mode<synchronous>, transform_indices = @transform_1, window_bounds = array<i64: 128, 1024>}, {pipeline_mode = #tpu.pipeline_mode<synchronous>, transform_indices = @transform_2, window_bounds = array<i64: 1, 1024>}, {pipeline_mode = #tpu.pipeline_mode<synchronous>, transform_indices = @transform_3, window_bounds = array<i64: 1024, 8>}, {pipeline_mode = #tpu.pipeline_mode<synchronous>, transform_indices = @transform_4, window_bounds = array<i64: 1024, 2>}, {pipeline_mode = #tpu.pipeline_mode<synchronous>, transform_indices = @transform_5, window_bounds = array<i64: 1, 2>}, {transform_indices = @transform_6, window_bounds = array<i64: 512, 512>}, {transform_indices = @transform_7, window_bounds = array<i64: 512, 1>}, {transform_indices = @transform_8, window_bounds = array<i64: 512, 1>}, {transform_indices = @transform_9, window_bounds = array<i64: 512, 16>}, {transform_indices = @transform_10, window_bounds = array<i64: 512, 16>}]} {
    %eq3A = arith.constant 0 : i32
    %eq3A_0 = arith.cmpi eq, %arg0, %eq3A : i32
    %convert_element_type3A = arith.extui %eq3A_0 : i1 to i32
    %cond3A = arith.constant 0 : i32
    %cond3A_1 = arith.cmpi ne, %convert_element_type3A, %cond3A : i32
    scf.if %cond3A_1 {
      %broadcast_in_dim3A_128 = arith.constant 0.000000e+00 : f32
      %broadcast_in_dim3A_129 = vector.broadcast %broadcast_in_dim3A_128 : f32 to vector<1x8xf32>
      %swap3A_130 = arith.constant 0 : index
      %swap3A_131 = arith.constant 0 : index
      %swap3A_132 = vector.load %arg12[%swap3A_130, %swap3A_131] : memref<1x8xf32, #tpu.memory_space<vmem>>, vector<1x8xf32>
      tpu.vector_store %arg12[%swap3A_130, %swap3A_131], %broadcast_in_dim3A_129 {strides = array<i32>} : memref<1x8xf32, #tpu.memory_space<vmem>>, vector<1x8xf32>,
    } else {
    }
    %get3A = arith.constant 0 : index
    %get3A_2 = arith.constant 0 : index
    %get3A_3 = vector.load %arg1[%get3A, %get3A_2] : memref<512x128xf32, #tpu.memory_space<vmem>>, vector<512x128xf32>
    %get3A_4 = arith.constant 0 : index
    %get3A_5 = arith.constant 0 : index
    %get3A_6 = vector.load %arg2[%get3A_4, %get3A_5] : memref<128x1024xf32, #tpu.memory_space<vmem>>, vector<128x1024xf32>
    %dot_general3A = arith.constant dense<0.000000e+00> : vector<512x1024xf32>
    %dot_general3A_7 = tpu.matmul %get3A_3, %get3A_6, %dot_general3A {dimension_numbers = #tpu.dot_dimension_numbers<[1], [0], [0], [1], [0, 0, 1, 1], [], []>, transpose_lhs_hint = false} : vector<512x128xf32>, vector<128x1024xf32>, vector<512x1024xf32> -> vector<512x1024xf32>
    %get3A_8 = arith.constant 0 : index
    %get3A_9 = arith.constant 0 : index
    %get3A_10 = vector.load %arg3[%get3A_8, %get3A_9] : memref<1x1024xf32, #tpu.memory_space<vmem>>, vector<1x1024xf32>
    %add3A = vector.broadcast %get3A_10 : vector<1x1024xf32> to vector<512x1024xf32>
    %add3A_11 = arith.addf %dot_general3A_7, %add3A : vector<512x1024xf32>
    %max3A = arith.constant 0.000000e+00 : f32
    %max3A_12 = vector.broadcast %max3A : f32 to vector<512x1024xf32>
    %max3A_13 = arith.maximumf %add3A_11, %max3A_12 : vector<512x1024xf32>
    %convert_element_type3A_14 = arith.truncf %max3A_13 : vector<512x1024xf32> to vector<512x1024xbf16>
    %slice3A = vector.extract_strided_slice %convert_element_type3A_14 {offsets = [0, 0], sizes = [512, 512], strides = [1, 1]} : vector<512x1024xbf16> to vector<512x512xbf16>
    %convert_element_type3A_15 = arith.extf %slice3A : vector<512x512xbf16> to vector<512x512xf32>
    %bitcast_convert_type3A = tpu.bitcast %convert_element_type3A_15 : vector<512x512xf32> -> vector<512x512xi32>
    %slice3A_16 = vector.extract_strided_slice %convert_element_type3A_14 {offsets = [0, 512], sizes = [512, 512], strides = [1, 1]} : vector<512x1024xbf16> to vector<512x512xbf16>
    %convert_element_type3A_17 = arith.extf %slice3A_16 : vector<512x512xbf16> to vector<512x512xf32>
    %bitcast_convert_type3A_18 = tpu.bitcast %convert_element_type3A_17 : vector<512x512xf32> -> vector<512x512xi32>
    %and3A = arith.constant -65536 : i32
    %and3A_19 = vector.broadcast %and3A : i32 to vector<512x512xi32>
    %and3A_20 = arith.andi %bitcast_convert_type3A_18, %and3A_19 : vector<512x512xi32>
    %shift_right_logical3A = arith.constant 16 : i32
    %shift_right_logical3A_21 = vector.broadcast %shift_right_logical3A : i32 to vector<512x512xi32>
    %shift_right_logical3A_22 = arith.shrui %bitcast_convert_type3A, %shift_right_logical3A_21 : vector<512x512xi32>
    %or3A = arith.ori %and3A_20, %shift_right_logical3A_22 : vector<512x512xi32>
    %bitcast_convert_type3A_23 = tpu.bitcast %or3A : vector<512x512xi32> -> vector<512x512xf32>
    %swap3A = arith.constant 0 : index
    %swap3A_24 = arith.constant 0 : index
    %swap3A_25 = vector.load %arg7[%swap3A, %swap3A_24] : memref<512x512xf32, #tpu.memory_space<vmem>>, vector<512x512xf32>
    tpu.vector_store %arg7[%swap3A, %swap3A_24], %bitcast_convert_type3A_23 {strides = array<i32>} : memref<512x512xf32, #tpu.memory_space<vmem>>, vector<512x512xf32>,
    %get3A_26 = arith.constant 0 : index
    %get3A_27 = arith.constant 0 : index
    %get3A_28 = vector.load %arg4[%get3A_26, %get3A_27] : memref<1024x8xf32, #tpu.memory_space<vmem>>, vector<1024x8xf32>
    %dot_general3A_29 = arith.constant dense<0.000000e+00> : vector<512x8xf32>
    %dot_general3A_30 = tpu.matmul %max3A_13, %get3A_28, %dot_general3A_29 {dimension_numbers = #tpu.dot_dimension_numbers<[1], [0], [0], [1], [0, 0, 1, 1], [], []>, transpose_lhs_hint = false} : vector<512x1024xf32>, vector<1024x8xf32>, vector<512x8xf32> -> vector<512x8xf32>
    %reduce_max3A = arith.constant dense<0xFF800000> : vector<512xf32>
    %reduce_max3A_31 = vector.multi_reduction <maximumf>, %dot_general3A_30, %reduce_max3A [1] : vector<512x8xf32> to vector<512xf32>
    %broadcast_in_dim3A = vector.shape_cast %reduce_max3A_31 : vector<512xf32> to vector<512x1xf32>
    %sub3A = vector.broadcast %broadcast_in_dim3A : vector<512x1xf32> to vector<512x8xf32>
    %sub3A_32 = arith.subf %dot_general3A_30, %sub3A : vector<512x8xf32>
    %exp3A = math.exp %sub3A_32 : vector<512x8xf32>
    %reduce_sum3A = arith.constant dense<0.000000e+00> : vector<512xf32>
    %reduce_sum3A_33 = vector.multi_reduction <add>, %exp3A, %reduce_sum3A [1] : vector<512x8xf32> to vector<512xf32>
    %broadcast_in_dim3A_34 = vector.shape_cast %reduce_sum3A_33 : vector<512xf32> to vector<512x1xf32>
    %div3A = arith.constant 1.000000e+00 : f32
    %div3A_35 = vector.broadcast %div3A : f32 to vector<512x1xf32>
    %div3A_36 = arith.divf %div3A_35, %broadcast_in_dim3A_34 : vector<512x1xf32>
    %iota3A = tpu.iota {dimensions = array<i32: 1>} : vector<512x8xi32>
    %convert_element_type3A_37 = arith.sitofp %iota3A : vector<512x8xi32> to vector<512x8xf32>
    %ge3A = vector.broadcast %broadcast_in_dim3A : vector<512x1xf32> to vector<512x8xf32>
    %ge3A_38 = arith.cmpf oge, %dot_general3A_30, %ge3A : vector<512x8xf32>
    %jit3A = arith.constant 8.000000e+00 : f32
    %broadcast_in_dim3A_39 = vector.broadcast %jit3A : f32 to vector<512x8xf32>
    %select_n3A = arith.select %ge3A_38, %convert_element_type3A_37, %broadcast_in_dim3A_39 : vector<512x8xi1>, vector<512x8xf32>
    %reduce_min3A = arith.constant dense<0x7F800000> : vector<512xf32>
    %reduce_min3A_40 = vector.multi_reduction <minimumf>, %select_n3A, %reduce_min3A [1] : vector<512x8xf32> to vector<512xf32>
    %broadcast_in_dim3A_41 = vector.shape_cast %reduce_min3A_40 : vector<512xf32> to vector<512x1xf32>
    %eq3A_42 = vector.broadcast %broadcast_in_dim3A_41 : vector<512x1xf32> to vector<512x8xf32>
    %eq3A_43 = arith.cmpf oeq, %convert_element_type3A_37, %eq3A_42 : vector<512x8xf32>
    %convert_element_type3A_44 = arith.extui %eq3A_43 : vector<512x8xi1> to vector<512x8xi32>
    %convert_element_type3A_45 = arith.sitofp %convert_element_type3A_44 : vector<512x8xi32> to vector<512x8xf32>
    %iota3A_46 = tpu.iota {dimensions = array<i32: 0>} : vector<512x512xi32>
    %iota3A_47 = tpu.iota {dimensions = array<i32: 1>} : vector<512x512xi32>
    %le3A = arith.cmpi sle, %iota3A_47, %iota3A_46 : vector<512x512xi32>
    %convert_element_type3A_48 = arith.extui %le3A : vector<512x512xi1> to vector<512x512xi32>
    %convert_element_type3A_49 = arith.sitofp %convert_element_type3A_48 : vector<512x512xi32> to vector<512x512xf32>
    %dot_general3A_50 = arith.constant dense<0.000000e+00> : vector<512x8xf32>
    %dot_general3A_51 = tpu.matmul %convert_element_type3A_49, %convert_element_type3A_45, %dot_general3A_50 {dimension_numbers = #tpu.dot_dimension_numbers<[1], [0], [0], [1], [0, 0, 1, 1], [], []>, transpose_lhs_hint = false} : vector<512x512xf32>, vector<512x8xf32>, vector<512x8xf32> -> vector<512x8xf32>
    %sub3A_52 = arith.constant 1.000000e+00 : f32
    %sub3A_53 = vector.broadcast %sub3A_52 : f32 to vector<512x8xf32>
    %sub3A_54 = arith.subf %dot_general3A_51, %sub3A_53 : vector<512x8xf32>
    %get3A_55 = arith.constant 0 : index
    %get3A_56 = arith.constant 0 : index
    %get3A_57 = vector.load %arg12[%get3A_55, %get3A_56] : memref<1x8xf32, #tpu.memory_space<vmem>>, vector<1x8xf32>
    %add3A_58 = vector.broadcast %get3A_57 : vector<1x8xf32> to vector<512x8xf32>
    %add3A_59 = arith.addf %sub3A_54, %add3A_58 : vector<512x8xf32>
    %mul3A = arith.mulf %add3A_59, %convert_element_type3A_45 : vector<512x8xf32>
    %reduce_sum3A_60 = arith.constant dense<0.000000e+00> : vector<512xf32>
    %reduce_sum3A_61 = vector.multi_reduction <add>, %mul3A, %reduce_sum3A_60 [1] : vector<512x8xf32> to vector<512xf32>
    %broadcast_in_dim3A_62 = vector.shape_cast %reduce_sum3A_61 : vector<512xf32> to vector<512x1xf32>
    %lt3A = arith.constant 5.120000e+02 : f32
    %lt3A_63 = vector.broadcast %lt3A : f32 to vector<512x1xf32>
    %lt3A_64 = arith.cmpf olt, %broadcast_in_dim3A_62, %lt3A_63 : vector<512x1xf32>
    %get3A_65 = arith.constant 0 : index
    %get3A_66 = arith.constant 0 : index
    %get3A_67 = vector.load %arg12[%get3A_65, %get3A_66] : memref<1x8xf32, #tpu.memory_space<vmem>>, vector<1x8xf32>
    %slice3A_68 = vector.extract_strided_slice %dot_general3A_51 {offsets = [511, 0], sizes = [1, 8], strides = [1, 1]} : vector<512x8xf32> to vector<1x8xf32>
    %add3A_69 = arith.addf %get3A_67, %slice3A_68 : vector<1x8xf32>
    %swap3A_70 = arith.constant 0 : index
    %swap3A_71 = arith.constant 0 : index
    %swap3A_72 = vector.load %arg12[%swap3A_70, %swap3A_71] : memref<1x8xf32, #tpu.memory_space<vmem>>, vector<1x8xf32>
    tpu.vector_store %arg12[%swap3A_70, %swap3A_71], %add3A_69 {strides = array<i32>} : memref<1x8xf32, #tpu.memory_space<vmem>>, vector<1x8xf32>,
    %mul3A_73 = arith.constant 5.120000e+02 : f32
    %mul3A_74 = vector.broadcast %mul3A_73 : f32 to vector<512x1xf32>
    %mul3A_75 = arith.mulf %broadcast_in_dim3A_41, %mul3A_74 : vector<512x1xf32>
    %add3A_76 = arith.addf %mul3A_75, %broadcast_in_dim3A_62 : vector<512x1xf32>
    %jit3A_77 = arith.constant 4.096000e+03 : f32
    %broadcast_in_dim3A_78 = vector.broadcast %jit3A_77 : f32 to vector<512x1xf32>
    %select_n3A_79 = arith.select %lt3A_64, %add3A_76, %broadcast_in_dim3A_78 : vector<512x1xi1>, vector<512x1xf32>
    %convert_element_type3A_80 = arith.fptosi %select_n3A_79 : vector<512x1xf32> to vector<512x1xi32>
    %swap3A_81 = arith.constant 0 : index
    %swap3A_82 = arith.constant 0 : index
    %swap3A_83 = vector.load %arg8[%swap3A_81, %swap3A_82] : memref<512x1xi32, #tpu.memory_space<vmem>>, vector<512x1xi32>
    tpu.vector_store %arg8[%swap3A_81, %swap3A_82], %convert_element_type3A_80 {strides = array<i32>} : memref<512x1xi32, #tpu.memory_space<vmem>>, vector<512x1xi32>,
    %jit3A_84 = arith.constant 0.000000e+00 : f32
    %broadcast_in_dim3A_85 = vector.broadcast %jit3A_84 : f32 to vector<512x1xf32>
    %select_n3A_86 = arith.select %lt3A_64, %add3A_76, %broadcast_in_dim3A_85 : vector<512x1xi1>, vector<512x1xf32>
    %convert_element_type3A_87 = arith.fptosi %select_n3A_86 : vector<512x1xf32> to vector<512x1xi32>
    %swap3A_88 = arith.constant 0 : index
    %swap3A_89 = arith.constant 0 : index
    %swap3A_90 = vector.load %arg9[%swap3A_88, %swap3A_89] : memref<512x1xi32, #tpu.memory_space<vmem>>, vector<512x1xi32>
    tpu.vector_store %arg9[%swap3A_88, %swap3A_89], %convert_element_type3A_87 {strides = array<i32>} : memref<512x1xi32, #tpu.memory_space<vmem>>, vector<512x1xi32>,
    %get3A_91 = arith.constant 0 : index
    %get3A_92 = arith.constant 0 : index
    %get3A_93 = vector.load %arg5[%get3A_91, %get3A_92] : memref<1024x2xf32, #tpu.memory_space<vmem>>, vector<1024x2xf32>
    %dot_general3A_94 = arith.constant dense<0.000000e+00> : vector<512x2xf32>
    %dot_general3A_95 = tpu.matmul %max3A_13, %get3A_93, %dot_general3A_94 {dimension_numbers = #tpu.dot_dimension_numbers<[1], [0], [0], [1], [0, 0, 1, 1], [], []>, transpose_lhs_hint = false} : vector<512x1024xf32>, vector<1024x2xf32>, vector<512x2xf32> -> vector<512x2xf32>
    %get3A_96 = arith.constant 0 : index
    %get3A_97 = arith.constant 0 : index
    %get3A_98 = vector.load %arg6[%get3A_96, %get3A_97] : memref<1x2xf32, #tpu.memory_space<vmem>>, vector<1x2xf32>
    %add3A_99 = vector.broadcast %get3A_98 : vector<1x2xf32> to vector<512x2xf32>
    %add3A_100 = arith.addf %dot_general3A_95, %add3A_99 : vector<512x2xf32>
    %slice3A_101 = vector.extract_strided_slice %add3A_100 {offsets = [0, 1], sizes = [512, 1], strides = [1, 1]} : vector<512x2xf32> to vector<512x1xf32>
    %slice3A_102 = vector.extract_strided_slice %add3A_100 {offsets = [0, 0], sizes = [512, 1], strides = [1, 1]} : vector<512x2xf32> to vector<512x1xf32>
    %sub3A_103 = arith.subf %slice3A_101, %slice3A_102 : vector<512x1xf32>
    %exp3A_104 = math.exp %sub3A_103 : vector<512x1xf32>
    %add3A_105 = arith.constant 1.000000e+00 : f32
    %add3A_106 = vector.broadcast %add3A_105 : f32 to vector<512x1xf32>
    %add3A_107 = arith.addf %add3A_106, %exp3A_104 : vector<512x1xf32>
    %div3A_108 = arith.constant 1.000000e+00 : f32
    %div3A_109 = vector.broadcast %div3A_108 : f32 to vector<512x1xf32>
    %div3A_110 = arith.divf %div3A_109, %add3A_107 : vector<512x1xf32>
    %sub3A_111 = arith.constant 1.000000e+00 : f32
    %sub3A_112 = vector.broadcast %sub3A_111 : f32 to vector<512x1xf32>
    %sub3A_113 = arith.subf %sub3A_112, %div3A_110 : vector<512x1xf32>
    %mul3A_114 = arith.mulf %div3A_36, %div3A_110 : vector<512x1xf32>
    %jit3A_115 = arith.constant 0.000000e+00 : f32
    %broadcast_in_dim3A_116 = vector.broadcast %jit3A_115 : f32 to vector<512x1xf32>
    %select_n3A_117 = arith.select %lt3A_64, %mul3A_114, %broadcast_in_dim3A_116 : vector<512x1xi1>, vector<512x1xf32>
    %broadcast_in_dim3A_118 = vector.shape_cast %select_n3A_117 : vector<512x1xf32> to vector<512x1xf32>
    %broadcast_in_dim3A_119 = vector.broadcast %broadcast_in_dim3A_118 : vector<512x1xf32> to vector<512x16xf32>
    %swap3A_120 = arith.constant 0 : index
    %swap3A_121 = arith.constant 0 : index
    %swap3A_122 = vector.load %arg10[%swap3A_120, %swap3A_121] : memref<512x16xf32, #tpu.memory_space<vmem>>, vector<512x16xf32>
    tpu.vector_store %arg10[%swap3A_120, %swap3A_121], %broadcast_in_dim3A_119 {strides = array<i32>} : memref<512x16xf32, #tpu.memory_space<vmem>>, vector<512x16xf32>,
    %broadcast_in_dim3A_123 = vector.shape_cast %sub3A_113 : vector<512x1xf32> to vector<512x1xf32>
    %broadcast_in_dim3A_124 = vector.broadcast %broadcast_in_dim3A_123 : vector<512x1xf32> to vector<512x16xf32>
    %swap3A_125 = arith.constant 0 : index
    %swap3A_126 = arith.constant 0 : index
    %swap3A_127 = vector.load %arg11[%swap3A_125, %swap3A_126] : memref<512x16xf32, #tpu.memory_space<vmem>>, vector<512x16xf32>
    tpu.vector_store %arg11[%swap3A_125, %swap3A_126], %broadcast_in_dim3A_124 {strides = array<i32>} : memref<512x16xf32, #tpu.memory_space<vmem>>, vector<512x16xf32>,
    return
  }
  func.func @transform_0(%arg0: i32) -> (i32, i32) {
    %c0_i32 = arith.constant 0 : i32
    %c0_i32_0 = arith.constant 0 : i32
    return %arg0, %c0_i32 : i32, i32
  }
  func.func @transform_1(%arg0: i32) -> (i32, i32) {
    %c0_i32 = arith.constant 0 : i32
    %c0_i32_0 = arith.constant 0 : i32
    %c0_i32_1 = arith.constant 0 : i32
    return %c0_i32, %c0_i32_0 : i32, i32
  }
  func.func @transform_2(%arg0: i32) -> (i32, i32) {
    %c0_i32 = arith.constant 0 : i32
    %c0_i32_0 = arith.constant 0 : i32
    %c0_i32_1 = arith.constant 0 : i32
    return %c0_i32, %c0_i32_0 : i32, i32
  }
  func.func @transform_3(%arg0: i32) -> (i32, i32) {
    %c0_i32 = arith.constant 0 : i32
    %c0_i32_0 = arith.constant 0 : i32
    %c0_i32_1 = arith.constant 0 : i32
    return %c0_i32, %c0_i32_0 : i32, i32
  }
  func.func @transform_4(%arg0: i32) -> (i32, i32) {
    %c0_i32 = arith.constant 0 : i32
    %c0_i32_0 = arith.constant 0 : i32
    %c0_i32_1 = arith.constant 0 : i32
    return %c0_i32, %c0_i32_0 : i32, i32
  }
  func.func @transform_5(%arg0: i32) -> (i32, i32) {
    %c0_i32 = arith.constant 0 : i32
    %c0_i32_0 = arith.constant 0 : i32
    %c0_i32_1 = arith.constant 0 : i32
    return %c0_i32, %c0_i32_0 : i32, i32
  }
  func.func @transform_6(%arg0: i32) -> (i32, i32) {
    %c0_i32 = arith.constant 0 : i32
    %c0_i32_0 = arith.constant 0 : i32
    return %arg0, %c0_i32 : i32, i32
  }
  func.func @transform_7(%arg0: i32) -> (i32, i32) {
    %c0_i32 = arith.constant 0 : i32
    %c0_i32_0 = arith.constant 0 : i32
    return %arg0, %c0_i32 : i32, i32
  }
  func.func @transform_8(%arg0: i32) -> (i32, i32) {
    %c0_i32 = arith.constant 0 : i32
    %c0_i32_0 = arith.constant 0 : i32
    return %arg0, %c0_i32 : i32, i32
  }
  func.func @transform_9(%arg0: i32) -> (i32, i32) {
    %c0_i32 = arith.constant 0 : i32
    %c0_i32_0 = arith.constant 0 : i32
    return %arg0, %c0_i32 : i32, i32
  }
  func.func @transform_10(%arg0: i32) -> (i32, i32) {
    %c0_i32 = arith.constant 0 : i32
    %c0_i32_0 = arith.constant 0 : i32
    return %arg0, %c0_i32 : i32, i32
  }
}

module attributes {stable_mosaic.version = 14 : i64} {
  func.func @_expert_combine_body(%arg0: i32, %arg1: memref<512x512xf32, #tpu.memory_space<vmem>>, %arg2: memref<1x1024x1024xf32, #tpu.memory_space<vmem>>, %arg3: memref<1x1x1024xf32, #tpu.memory_space<vmem>>, %arg4: memref<1024x128xf32, #tpu.memory_space<vmem>>, %arg5: memref<512x128xf32, #tpu.memory_space<vmem>>, %arg6: memref<512x16xf32, #tpu.memory_space<vmem>>, %arg7: memref<512x1xi32, #tpu.memory_space<vmem>>, %arg8: memref<512x128xf32, #tpu.memory_space<vmem>>, %arg9: memref<4096x128xbf16, #tpu.memory_space<vmem>>) attributes {dimension_semantics = [#tpu.dimension_semantics<arbitrary>], iteration_bounds = array<i64: 16>, scalar_prefetch = 0 : i64, scratch_operands = 1 : i64, tpu.core_type = #tpu.core_type<tc>, window_params = [{transform_indices = @transform_0, window_bounds = array<i64: 512, 512>}, {transform_indices = @transform_1, window_bounds = array<i64: 1, 1024, 1024>}, {transform_indices = @transform_2, window_bounds = array<i64: 1, 1, 1024>}, {pipeline_mode = #tpu.pipeline_mode<synchronous>, transform_indices = @transform_3, window_bounds = array<i64: 1024, 128>}, {transform_indices = @transform_4, window_bounds = array<i64: 512, 128>}, {transform_indices = @transform_5, window_bounds = array<i64: 512, 16>}, {transform_indices = @transform_6, window_bounds = array<i64: 512, 1>}, {transform_indices = @transform_7, window_bounds = array<i64: 512, 128>}]} {
    %lt3A = arith.constant 8 : i32
    %lt3A_0 = arith.cmpi slt, %arg0, %lt3A : i32
    %convert_element_type3A = arith.extui %lt3A_0 : i1 to i32
    %cond3A = arith.constant 0 : i32
    %cond3A_1 = arith.cmpi ne, %convert_element_type3A, %cond3A : i32
    scf.if %cond3A_1 {
      %get3A = arith.constant 0 : index
      %get3A_6 = arith.constant 0 : index
      %get3A_7 = vector.load %arg1[%get3A, %get3A_6] : memref<512x512xf32, #tpu.memory_space<vmem>>, vector<512x512xf32>
      %bitcast_convert_type3A = tpu.bitcast %get3A_7 : vector<512x512xf32> -> vector<512x512xi32>
      %shift_left3A = arith.constant 16 : i32
      %shift_left3A_8 = vector.broadcast %shift_left3A : i32 to vector<512x512xi32>
      %shift_left3A_9 = arith.shli %bitcast_convert_type3A, %shift_left3A_8 : vector<512x512xi32>
      %bitcast_convert_type3A_10 = tpu.bitcast %shift_left3A_9 : vector<512x512xi32> -> vector<512x512xf32>
      %and3A = arith.constant -65536 : i32
      %and3A_11 = vector.broadcast %and3A : i32 to vector<512x512xi32>
      %and3A_12 = arith.andi %bitcast_convert_type3A, %and3A_11 : vector<512x512xi32>
      %bitcast_convert_type3A_13 = tpu.bitcast %and3A_12 : vector<512x512xi32> -> vector<512x512xf32>
      %concatenate3A = tpu.concatenate %bitcast_convert_type3A_10, %bitcast_convert_type3A_13 in 1 : vector<512x512xf32>, vector<512x512xf32> -> vector<512x1024xf32>
      %abs3A = math.absf %concatenate3A : vector<512x1024xf32>
      %lt3A_14 = arith.constant 1.000000e+04 : f32
      %lt3A_15 = vector.broadcast %lt3A_14 : f32 to vector<512x1024xf32>
      %lt3A_16 = arith.cmpf olt, %abs3A, %lt3A_15 : vector<512x1024xf32>
      %jit3A = arith.constant 0.000000e+00 : f32
      %broadcast_in_dim3A = vector.broadcast %jit3A : f32 to vector<512x1024xf32>
      %select_n3A = arith.select %lt3A_16, %concatenate3A, %broadcast_in_dim3A : vector<512x1024xi1>, vector<512x1024xf32>
      %convert_element_type3A_17 = arith.truncf %select_n3A : vector<512x1024xf32> to vector<512x1024xbf16>
      %get3A_18 = arith.constant 0 : index
      %get3A_19 = arith.constant 0 : index
      %get3A_20 = arith.constant 0 : index
      %get3A_21 = vector.load %arg2[%get3A_18, %get3A_19, %get3A_20] : memref<1x1024x1024xf32, #tpu.memory_space<vmem>>, vector<1x1024x1024xf32>
      %get3A_22 = vector.shape_cast %get3A_21 : vector<1x1024x1024xf32> to vector<1024x1024xf32>
      %convert_element_type3A_23 = arith.truncf %get3A_22 : vector<1024x1024xf32> to vector<1024x1024xbf16>
      %dot_general3A = arith.constant dense<0.000000e+00> : vector<512x1024xf32>
      %dot_general3A_24 = tpu.matmul %convert_element_type3A_17, %convert_element_type3A_23, %dot_general3A {dimension_numbers = #tpu.dot_dimension_numbers<[1], [0], [0], [1], [0, 0, 1, 1], [], []>, transpose_lhs_hint = false} : vector<512x1024xbf16>, vector<1024x1024xbf16>, vector<512x1024xf32> -> vector<512x1024xf32>
      %get3A_25 = arith.constant 0 : index
      %get3A_26 = arith.constant 0 : index
      %get3A_27 = arith.constant 0 : index
      %get3A_28 = vector.load %arg3[%get3A_25, %get3A_26, %get3A_27] : memref<1x1x1024xf32, #tpu.memory_space<vmem>>, vector<1x1x1024xf32>
      %get3A_29 = vector.shape_cast %get3A_28 : vector<1x1x1024xf32> to vector<1x1024xf32>
      %add3A = vector.broadcast %get3A_29 : vector<1x1024xf32> to vector<512x1024xf32>
      %add3A_30 = arith.addf %dot_general3A_24, %add3A : vector<512x1024xf32>
      %convert_element_type3A_31 = arith.truncf %add3A_30 : vector<512x1024xf32> to vector<512x1024xbf16>
      %get3A_32 = arith.constant 0 : index
      %get3A_33 = arith.constant 0 : index
      %get3A_34 = vector.load %arg4[%get3A_32, %get3A_33] : memref<1024x128xf32, #tpu.memory_space<vmem>>, vector<1024x128xf32>
      %convert_element_type3A_35 = arith.truncf %get3A_34 : vector<1024x128xf32> to vector<1024x128xbf16>
      %dot_general3A_36 = arith.constant dense<0.000000e+00> : vector<512x128xf32>
      %dot_general3A_37 = tpu.matmul %convert_element_type3A_31, %convert_element_type3A_35, %dot_general3A_36 {dimension_numbers = #tpu.dot_dimension_numbers<[1], [0], [0], [1], [0, 0, 1, 1], [], []>, transpose_lhs_hint = false} : vector<512x1024xbf16>, vector<1024x128xbf16>, vector<512x128xf32> -> vector<512x128xf32>
      %convert_element_type3A_38 = arith.truncf %dot_general3A_37 : vector<512x128xf32> to vector<512x128xbf16>
      %mul3A = arith.constant 512 : i32
      %mul3A_39 = arith.muli %arg0, %mul3A : i32
      %swap3A = arith.index_cast %mul3A_39 : i32 to index
      %swap3A_40 = arith.constant 0 : index
      %swap3A_41 = vector.load %arg9[%swap3A, %swap3A_40] : memref<4096x128xbf16, #tpu.memory_space<vmem>>, vector<512x128xbf16>
      tpu.vector_store %arg9[%swap3A, %swap3A_40], %convert_element_type3A_38 {strides = array<i32>} : memref<4096x128xbf16, #tpu.memory_space<vmem>>, vector<512x128xbf16>,
    } else {
    }
    %ge3A = arith.constant 8 : i32
    %ge3A_2 = arith.cmpi sge, %arg0, %ge3A : i32
    %convert_element_type3A_3 = arith.extui %ge3A_2 : i1 to i32
    %cond3A_4 = arith.constant 0 : i32
    %cond3A_5 = arith.cmpi ne, %convert_element_type3A_3, %cond3A_4 : i32
    scf.if %cond3A_5 {
      %iota3A = tpu.iota {dimensions = array<i32: 1>} : vector<512x4096xi32>
      %get3A = arith.constant 0 : index
      %get3A_6 = arith.constant 0 : index
      %get3A_7 = vector.load %arg7[%get3A, %get3A_6] : memref<512x1xi32, #tpu.memory_space<vmem>>, vector<512x1xi32>
      %eq3A = vector.broadcast %get3A_7 : vector<512x1xi32> to vector<512x4096xi32>
      %eq3A_8 = arith.cmpi eq, %iota3A, %eq3A : vector<512x4096xi32>
      %convert_element_type3A_9 = arith.extui %eq3A_8 : vector<512x4096xi1> to vector<512x4096xi32>
      %convert_element_type3A_10 = arith.sitofp %convert_element_type3A_9 : vector<512x4096xi32> to vector<512x4096xf32>
      %convert_element_type3A_11 = arith.truncf %convert_element_type3A_10 : vector<512x4096xf32> to vector<512x4096xbf16>
      %get3A_12 = arith.constant 0 : index
      %get3A_13 = arith.constant 0 : index
      %get3A_14 = vector.load %arg9[%get3A_12, %get3A_13] : memref<4096x128xbf16, #tpu.memory_space<vmem>>, vector<4096x128xbf16>
      %dot_general3A = arith.constant dense<0.000000e+00> : vector<512x128xf32>
      %dot_general3A_15 = tpu.matmul %convert_element_type3A_11, %get3A_14, %dot_general3A {dimension_numbers = #tpu.dot_dimension_numbers<[1], [0], [0], [1], [0, 0, 1, 1], [], []>, transpose_lhs_hint = false} : vector<512x4096xbf16>, vector<4096x128xbf16>, vector<512x128xf32> -> vector<512x128xf32>
      %get3A_16 = arith.constant 0 : index
      %get3A_17 = arith.constant 0 : index
      %get3A_18 = vector.load %arg5[%get3A_16, %get3A_17] : memref<512x128xf32, #tpu.memory_space<vmem>>, vector<512x128xf32>
      %get3A_19 = arith.constant 0 : index
      %get3A_20 = arith.constant 0 : index
      %get3A_21 = vector.load %arg6[%get3A_19, %get3A_20] : memref<512x16xf32, #tpu.memory_space<vmem>>, vector<512x1xf32>
      %mul3A = vector.broadcast %get3A_21 : vector<512x1xf32> to vector<512x128xf32>
      %mul3A_22 = arith.mulf %mul3A, %dot_general3A_15 : vector<512x128xf32>
      %add3A = arith.addf %get3A_18, %mul3A_22 : vector<512x128xf32>
      %swap3A = arith.constant 0 : index
      %swap3A_23 = arith.constant 0 : index
      %swap3A_24 = vector.load %arg8[%swap3A, %swap3A_23] : memref<512x128xf32, #tpu.memory_space<vmem>>, vector<512x128xf32>
      tpu.vector_store %arg8[%swap3A, %swap3A_23], %add3A {strides = array<i32>} : memref<512x128xf32, #tpu.memory_space<vmem>>, vector<512x128xf32>,
    } else {
    }
    return
  }
  func.func @transform_0(%arg0: i32) -> (i32, i32) {
    %min3A = arith.constant 7 : i32
    %min3A_0 = arith.minsi %arg0, %min3A : i32
    %c0_i32 = arith.constant 0 : i32
    %c0_i32_1 = arith.constant 0 : i32
    return %min3A_0, %c0_i32 : i32, i32
  }
  func.func @transform_1(%arg0: i32) -> (i32, i32, i32) {
    %min3A = arith.constant 7 : i32
    %min3A_0 = arith.minsi %arg0, %min3A : i32
    %c0_i32 = arith.constant 0 : i32
    %c0_i32_1 = arith.constant 0 : i32
    %c0_i32_2 = arith.constant 0 : i32
    return %min3A_0, %c0_i32, %c0_i32_1 : i32, i32, i32
  }
  func.func @transform_2(%arg0: i32) -> (i32, i32, i32) {
    %min3A = arith.constant 7 : i32
    %min3A_0 = arith.minsi %arg0, %min3A : i32
    %c0_i32 = arith.constant 0 : i32
    %c0_i32_1 = arith.constant 0 : i32
    %c0_i32_2 = arith.constant 0 : i32
    return %min3A_0, %c0_i32, %c0_i32_1 : i32, i32, i32
  }
  func.func @transform_3(%arg0: i32) -> (i32, i32) {
    %c0_i32 = arith.constant 0 : i32
    %c0_i32_0 = arith.constant 0 : i32
    %c0_i32_1 = arith.constant 0 : i32
    return %c0_i32, %c0_i32_0 : i32, i32
  }
  func.func @transform_4(%arg0: i32) -> (i32, i32) {
    %sub3A = arith.constant 8 : i32
    %sub3A_0 = arith.subi %arg0, %sub3A : i32
    %max3A = arith.constant 0 : i32
    %max3A_1 = arith.maxsi %sub3A_0, %max3A : i32
    %c0_i32 = arith.constant 0 : i32
    %c0_i32_2 = arith.constant 0 : i32
    return %max3A_1, %c0_i32 : i32, i32
  }
  func.func @transform_5(%arg0: i32) -> (i32, i32) {
    %sub3A = arith.constant 8 : i32
    %sub3A_0 = arith.subi %arg0, %sub3A : i32
    %max3A = arith.constant 0 : i32
    %max3A_1 = arith.maxsi %sub3A_0, %max3A : i32
    %c0_i32 = arith.constant 0 : i32
    %c0_i32_2 = arith.constant 0 : i32
    return %max3A_1, %c0_i32 : i32, i32
  }
  func.func @transform_6(%arg0: i32) -> (i32, i32) {
    %sub3A = arith.constant 8 : i32
    %sub3A_0 = arith.subi %arg0, %sub3A : i32
    %max3A = arith.constant 0 : i32
    %max3A_1 = arith.maxsi %sub3A_0, %max3A : i32
    %c0_i32 = arith.constant 0 : i32
    %c0_i32_2 = arith.constant 0 : i32
    return %max3A_1, %c0_i32 : i32, i32
  }
  func.func @transform_7(%arg0: i32) -> (i32, i32) {
    %sub3A = arith.constant 8 : i32
    %sub3A_0 = arith.subi %arg0, %sub3A : i32
    %max3A = arith.constant 0 : i32
    %max3A_1 = arith.maxsi %sub3A_0, %max3A : i32
    %c0_i32 = arith.constant 0 : i32
    %c0_i32_2 = arith.constant 0 : i32
    return %max3A_1, %c0_i32 : i32, i32
  }
}

module attributes {stable_mosaic.version = 14 : i64} {
  func.func @_residual_body(%arg0: i32, %arg1: memref<512x512xf32, #tpu.memory_space<vmem>>, %arg2: memref<512x16xf32, #tpu.memory_space<vmem>>, %arg3: memref<1024x1024xf32, #tpu.memory_space<vmem>>, %arg4: memref<1x1024xf32, #tpu.memory_space<vmem>>, %arg5: memref<1024x128xf32, #tpu.memory_space<vmem>>, %arg6: memref<1x128xf32, #tpu.memory_space<vmem>>, %arg7: memref<512x128xf32, #tpu.memory_space<vmem>>) attributes {dimension_semantics = [#tpu.dimension_semantics<arbitrary>], iteration_bounds = array<i64: 8>, scalar_prefetch = 0 : i64, scratch_operands = 0 : i64, tpu.core_type = #tpu.core_type<tc>, window_params = [{transform_indices = @transform_0, window_bounds = array<i64: 512, 512>}, {transform_indices = @transform_1, window_bounds = array<i64: 512, 16>}, {pipeline_mode = #tpu.pipeline_mode<synchronous>, transform_indices = @transform_2, window_bounds = array<i64: 1024, 1024>}, {pipeline_mode = #tpu.pipeline_mode<synchronous>, transform_indices = @transform_3, window_bounds = array<i64: 1, 1024>}, {pipeline_mode = #tpu.pipeline_mode<synchronous>, transform_indices = @transform_4, window_bounds = array<i64: 1024, 128>}, {pipeline_mode = #tpu.pipeline_mode<synchronous>, transform_indices = @transform_5, window_bounds = array<i64: 1, 128>}, {transform_indices = @transform_6, window_bounds = array<i64: 512, 128>}]} {
    %get3A = arith.constant 0 : index
    %get3A_0 = arith.constant 0 : index
    %get3A_1 = vector.load %arg1[%get3A, %get3A_0] : memref<512x512xf32, #tpu.memory_space<vmem>>, vector<512x512xf32>
    %bitcast_convert_type3A = tpu.bitcast %get3A_1 : vector<512x512xf32> -> vector<512x512xi32>
    %shift_left3A = arith.constant 16 : i32
    %shift_left3A_2 = vector.broadcast %shift_left3A : i32 to vector<512x512xi32>
    %shift_left3A_3 = arith.shli %bitcast_convert_type3A, %shift_left3A_2 : vector<512x512xi32>
    %bitcast_convert_type3A_4 = tpu.bitcast %shift_left3A_3 : vector<512x512xi32> -> vector<512x512xf32>
    %and3A = arith.constant -65536 : i32
    %and3A_5 = vector.broadcast %and3A : i32 to vector<512x512xi32>
    %and3A_6 = arith.andi %bitcast_convert_type3A, %and3A_5 : vector<512x512xi32>
    %bitcast_convert_type3A_7 = tpu.bitcast %and3A_6 : vector<512x512xi32> -> vector<512x512xf32>
    %concatenate3A = tpu.concatenate %bitcast_convert_type3A_4, %bitcast_convert_type3A_7 in 1 : vector<512x512xf32>, vector<512x512xf32> -> vector<512x1024xf32>
    %convert_element_type3A = arith.truncf %concatenate3A : vector<512x1024xf32> to vector<512x1024xbf16>
    %get3A_8 = arith.constant 0 : index
    %get3A_9 = arith.constant 0 : index
    %get3A_10 = vector.load %arg3[%get3A_8, %get3A_9] : memref<1024x1024xf32, #tpu.memory_space<vmem>>, vector<1024x1024xf32>
    %convert_element_type3A_11 = arith.truncf %get3A_10 : vector<1024x1024xf32> to vector<1024x1024xbf16>
    %dot_general3A = arith.constant dense<0.000000e+00> : vector<512x1024xf32>
    %dot_general3A_12 = tpu.matmul %convert_element_type3A, %convert_element_type3A_11, %dot_general3A {dimension_numbers = #tpu.dot_dimension_numbers<[1], [0], [0], [1], [0, 0, 1, 1], [], []>, transpose_lhs_hint = false} : vector<512x1024xbf16>, vector<1024x1024xbf16>, vector<512x1024xf32> -> vector<512x1024xf32>
    %get3A_13 = arith.constant 0 : index
    %get3A_14 = arith.constant 0 : index
    %get3A_15 = vector.load %arg4[%get3A_13, %get3A_14] : memref<1x1024xf32, #tpu.memory_space<vmem>>, vector<1x1024xf32>
    %add3A = vector.broadcast %get3A_15 : vector<1x1024xf32> to vector<512x1024xf32>
    %add3A_16 = arith.addf %dot_general3A_12, %add3A : vector<512x1024xf32>
    %get3A_17 = arith.constant 0 : index
    %get3A_18 = arith.constant 0 : index
    %get3A_19 = vector.load %arg2[%get3A_17, %get3A_18] : memref<512x16xf32, #tpu.memory_space<vmem>>, vector<512x1xf32>
    %mul3A = vector.broadcast %get3A_19 : vector<512x1xf32> to vector<512x1024xf32>
    %mul3A_20 = arith.mulf %mul3A, %add3A_16 : vector<512x1024xf32>
    %convert_element_type3A_21 = arith.truncf %mul3A_20 : vector<512x1024xf32> to vector<512x1024xbf16>
    %get3A_22 = arith.constant 0 : index
    %get3A_23 = arith.constant 0 : index
    %get3A_24 = vector.load %arg5[%get3A_22, %get3A_23] : memref<1024x128xf32, #tpu.memory_space<vmem>>, vector<1024x128xf32>
    %convert_element_type3A_25 = arith.truncf %get3A_24 : vector<1024x128xf32> to vector<1024x128xbf16>
    %dot_general3A_26 = arith.constant dense<0.000000e+00> : vector<512x128xf32>
    %dot_general3A_27 = tpu.matmul %convert_element_type3A_21, %convert_element_type3A_25, %dot_general3A_26 {dimension_numbers = #tpu.dot_dimension_numbers<[1], [0], [0], [1], [0, 0, 1, 1], [], []>, transpose_lhs_hint = false} : vector<512x1024xbf16>, vector<1024x128xbf16>, vector<512x128xf32> -> vector<512x128xf32>
    %get3A_28 = arith.constant 0 : index
    %get3A_29 = arith.constant 0 : index
    %get3A_30 = vector.load %arg6[%get3A_28, %get3A_29] : memref<1x128xf32, #tpu.memory_space<vmem>>, vector<1x128xf32>
    %add3A_31 = vector.broadcast %get3A_30 : vector<1x128xf32> to vector<512x128xf32>
    %add3A_32 = arith.addf %dot_general3A_27, %add3A_31 : vector<512x128xf32>
    %swap3A = arith.constant 0 : index
    %swap3A_33 = arith.constant 0 : index
    %swap3A_34 = vector.load %arg7[%swap3A, %swap3A_33] : memref<512x128xf32, #tpu.memory_space<vmem>>, vector<512x128xf32>
    tpu.vector_store %arg7[%swap3A, %swap3A_33], %add3A_32 {strides = array<i32>} : memref<512x128xf32, #tpu.memory_space<vmem>>, vector<512x128xf32>,
    return
  }
  func.func @transform_0(%arg0: i32) -> (i32, i32) {
    %c0_i32 = arith.constant 0 : i32
    %c0_i32_0 = arith.constant 0 : i32
    return %arg0, %c0_i32 : i32, i32
  }
  func.func @transform_1(%arg0: i32) -> (i32, i32) {
    %c0_i32 = arith.constant 0 : i32
    %c0_i32_0 = arith.constant 0 : i32
    return %arg0, %c0_i32 : i32, i32
  }
  func.func @transform_2(%arg0: i32) -> (i32, i32) {
    %c0_i32 = arith.constant 0 : i32
    %c0_i32_0 = arith.constant 0 : i32
    %c0_i32_1 = arith.constant 0 : i32
    return %c0_i32, %c0_i32_0 : i32, i32
  }
  func.func @transform_3(%arg0: i32) -> (i32, i32) {
    %c0_i32 = arith.constant 0 : i32
    %c0_i32_0 = arith.constant 0 : i32
    %c0_i32_1 = arith.constant 0 : i32
    return %c0_i32, %c0_i32_0 : i32, i32
  }
  func.func @transform_4(%arg0: i32) -> (i32, i32) {
    %c0_i32 = arith.constant 0 : i32
    %c0_i32_0 = arith.constant 0 : i32
    %c0_i32_1 = arith.constant 0 : i32
    return %c0_i32, %c0_i32_0 : i32, i32
  }
  func.func @transform_5(%arg0: i32) -> (i32, i32) {
    %c0_i32 = arith.constant 0 : i32
    %c0_i32_0 = arith.constant 0 : i32
    %c0_i32_1 = arith.constant 0 : i32
    return %c0_i32, %c0_i32_0 : i32, i32
  }
  func.func @transform_6(%arg0: i32) -> (i32, i32) {
    %c0_i32 = arith.constant 0 : i32
    %c0_i32_0 = arith.constant 0 : i32
    return %arg0, %c0_i32 : i32, i32
  }
}

</mosaic_0001>

<sc_bundles>
// kernel: kernel.6.cloned.1.call-start
scs
__scs_entry_jumppad:
0x0: {  	(pc) =	sbr.rel $0x88, $3  }
0x1: {  	(tag) =	ssettag $0x0;
	lr =	simm.s32 $0x1  }
0x2: {  	[smem:$0x3F95] =	sst lr;
	_ =	strace $0xD0000000  }
0x3: {  	_ = 	snop  }
0x4: {  	_ = 	snop  }
0x5: {  	_ = 	snop  }
0x6: {  	_ = 	snop  }
0x7: {  	_ = 	snop  }
__scs_overlays_trampoline_lowered:
0x8: {  	[smem:$0x3FA4] =	sst s0  }
0x9: {  	[smem:$0x3FA5] =	sst s1  }
0xa: {  	[smem:$0x3FA6] =	sst s2  }
0xb: {  	[smem:$0x3FA7] =	sst s3  }
0xc: {  	[smem:$0x3FA8] =	sst s4  }
0xd: {  	[smem:$0x3FA9] =	sst s5  }
0xe: {  	[smem:$0x3FAA] =	sst s6  }
0xf: {  	[smem:$0x3FAB] =	sst s7  }
0x10: {  	[smem:$0x3FAC] =	sst s8  }
0x11: {  	[smem:$0x3FAD] =	sst s9;
	s0 =	simm.s32 @!p0 $0x0  }
0x12: {  	s1 =	sld [smem:$0x3F93];
	s0 =	simm.s32 @p0 $0x1  }
0x13: {  	[smem:$0x3FAE] =	sst s0;
	s0 =	simm.s32 @!p1 $0x0  }
0x14: {  	s2 =	sld [smem:$0x3F92];
	s0 =	simm.s32 @p1 $0x1  }
0x15: {  	[smem:$0x3FAF] =	sst s0;
	s0 =	simm.s32 @!p2 $0x0  }
0x16: {  	s3 =	sld [smem:$0x3FDB];
	s0 =	simm.s32 @p2 $0x1  }
0x17: {  	s4 =	simm.s32 $0x1BF5;
	[smem:$0x3FB1] =	sst s0  }
0x18: {  	s0 =	sld [smem:$0x3F94];
	_ =	swait.ge [sflag:s4], $0x0  }
0x19: {  	s7 =	sld [smem:$0x3F95]  }
0x1a: {  	s8 =	sadd.s32 $0xFFFFE003, lr  }
0x1b: {  	s9 =	sadd.s32 $0xFFFFFEF7, lr;
	s5 =	simm.s32 $0xFFFFFFFF;
	p2 =	slt.u32 s8, $0xFFFFF086  }
0x1c: {  	p1 =	slt.u32 s9, $0xF7A;
	s5 =	simm.s32 @!p2 $0x0  }
0x1d: {  	s5 =	simm.s32 @p1 $0x1;
	p0 =	seq.s32 s7, s2  }
0x1e: {  	s7 =	smul.u32 @!p0 $0xF7A, s2;
	p2 =	seq.s32 @!p0 s5, $0x0  }
0x1f: {  	s9 =	smul.u32 $0xF7A, s1;
	s8 =	simm.s32 @!p0 $0x1BF5;
	p2 =	por !p2, p0  }
0x20: {  	[sflag:s8] =	ssyncset.s32 @!p0 $0xFFFFF086;
	s6 =	sadd.s32 @!p0 s3, s7;
	s7 =	simm.s32 @!p0 $0x108  }
0x21: {  	s3 =	sadd.s32 s3, s9;
	s6 =	sadd.s32 @!p0 $0x88, s6;
	s7 =	simm.s32 @p2 $0x1082  }
0x22: {  	[simem:s7], [sflag:s8] =	dma.local @!p0 [hbm:s6], $0xF7A  }
0x23: {  	s9 =	sor.u32 $0xD0000000, s2;
	s6 =	simm.s32 $0x108;
	_ =	swait.ge @!p0 [sflag:s8], $0x0  }
0x24: {  	s3 =	sadd.s32 $0x88, s3;
	s6 =	simm.s32 @!p1 $0x1082;
	[sflag:s4] =	ssyncset.s32 $0xFFFFF086  }
0x25: {  	[simem:s6], [sflag:s4] =	dma.local [hbm:s3], $0xF7A  }
0x26: {  	[smem:$0x3F95] =	sst s1;
	(tag) =	ssettag s2;
	_ =	strace s9  }
0x27: {  	s1 =	sld [smem:$0x3FA5]  }
0x28: {  	s2 =	sld [smem:$0x3FA6]  }
0x29: {  	s4 =	sld [smem:$0x3FA8]  }
0x2a: {  	p0 =	seq.s32 s5, $0x0;
	s5 =	sld [smem:$0x3FA9]  }
0x2b: {  	s6 =	sld [smem:$0x3FAA]  }
0x2c: {  	s7 =	sld [smem:$0x3FAB]  }
0x2d: {  	s3 =	simm.s32 $0x108;
	s8 =	sld [smem:$0x3FAC]  }
0x2e: {  	s3 =	simm.s32 @!p0 $0x1082;
	s9 =	sld [smem:$0x3FAD]  }
0x2f: {  	lr =	sadd.s32 s0, s3;
	s0 =	sld [smem:$0x3FA4]  }
0x30: {  	s3 =	sld [smem:$0x3FA7]  }
0x31: {  	[smem:$0x3FB0] =	sst s10  }
0x32: {  	s10 =	sld [smem:$0x3FAE];
	_ =	sdelay $0x3  }
0x33: {  	p0 =	seq.s32 s10, $0x1;
	s10 =	sld [smem:$0x3FB0];
	_ =	sdelay $0x3  }
0x34: {  	[smem:$0x3FB0] =	sst s10  }
0x35: {  	s10 =	sld [smem:$0x3FAF];
	_ =	sdelay $0x3  }
0x36: {  	p1 =	seq.s32 s10, $0x1;
	s10 =	sld [smem:$0x3FB0];
	_ =	sdelay $0x3  }
0x37: {  	[smem:$0x3FB0] =	sst s10  }
0x38: {  	s10 =	sld [smem:$0x3FB1]  }
0x39: {  	_ = 	snop;
	(pc) =	sbr.ind lr, $3  }
0x3a: {  	_ = 	snop  }
0x3b: {  	_ = 	snop  }
0x3c: {  	p2 =	seq.s32 s10, $0x1;
	s10 =	sld [smem:$0x3FB0]  }
0x3d: {  	_ =	shalt  }
0x3e: {  	_ =	shalt  }
0x3f: {  	_ =	shalt  }
0x40: {  	_ =	shalt  }
0x41: {  	_ =	shalt  }
0x42: {  	_ =	shalt  }
0x43: {  	_ =	shalt  }
0x44: {  	_ =	shalt  }
0x45: {  	_ =	shalt  }
0x46: {  	_ =	shalt  }
0x47: {  	_ =	shalt  }
0x48: {  	_ =	shalt  }
0x49: {  	_ =	shalt  }
0x4a: {  	_ =	shalt  }
0x4b: {  	_ =	shalt  }
0x4c: {  	_ =	shalt  }
0x4d: {  	_ =	shalt  }
0x4e: {  	_ =	shalt  }
0x4f: {  	_ =	shalt  }
0x50: {  	_ =	shalt  }
0x51: {  	_ =	shalt  }
0x52: {  	_ =	shalt  }
0x53: {  	_ =	shalt  }
0x54: {  	_ =	shalt  }
0x55: {  	_ =	shalt  }
0x56: {  	_ =	shalt  }
0x57: {  	_ =	shalt  }
0x58: {  	_ =	shalt  }
0x59: {  	_ =	shalt  }
0x5a: {  	_ =	shalt  }
0x5b: {  	_ =	shalt  }
0x5c: {  	_ =	shalt  }
0x5d: {  	_ =	shalt  }
0x5e: {  	_ =	shalt  }
0x5f: {  	_ =	shalt  }
0x60: {  	_ =	shalt  }
0x61: {  	_ =	shalt  }
0x62: {  	_ =	shalt  }
0x63: {  	_ =	shalt  }
0x64: {  	_ =	shalt  }
0x65: {  	_ =	shalt  }
0x66: {  	_ =	shalt  }
0x67: {  	_ =	shalt  }
0x68: {  	_ =	shalt  }
0x69: {  	_ =	shalt  }
0x6a: {  	_ =	shalt  }
0x6b: {  	_ =	shalt  }
0x6c: {  	_ =	shalt  }
0x6d: {  	_ =	shalt  }
0x6e: {  	_ =	shalt  }
0x6f: {  	_ =	shalt  }
0x70: {  	_ =	shalt  }
0x71: {  	_ =	shalt  }
0x72: {  	_ =	shalt  }
0x73: {  	_ =	shalt  }
0x74: {  	_ =	shalt  }
0x75: {  	_ =	shalt  }
0x76: {  	_ =	shalt  }
0x77: {  	_ =	shalt  }
0x78: {  	_ =	shalt  }
0x79: {  	_ =	shalt  }
0x7a: {  	_ =	shalt  }
0x7b: {  	_ =	shalt  }
0x7c: {  	_ =	shalt  }
0x7d: {  	_ =	shalt  }
0x7e: {  	_ =	shalt  }
0x7f: {  	_ =	shalt  }
0x80: {  	_ =	shalt  }
0x81: {  	_ =	shalt  }
0x82: {  	_ =	shalt  }
0x83: {  	_ =	shalt  }
0x84: {  	_ =	shalt  }
0x85: {  	_ =	shalt  }
0x86: {  	_ =	shalt  }
0x87: {  	_ =	shalt  }
.Lfunc_end0:
.L_simem_size_0:
called_computation_lowered:
.L_overlay_start_0:
0x88: {  	s2 =	sld [smem:$0x3FD9]  }
0x89: {  	s3 =	sld [smem:$0x3FFE];
	_ =	sdelay $0x1  }
0x8a: {  	s1 =	srdreg.scid  }
0x8b: {  	s0 =	sand.u32 $0x1, s1  }
0x8c: {  	s17 =	sshll.u32 s0, $0xA;
	s2 =	sadd.s32 s3, s2  }
0x8d: {  	s2 =	sadd.s32 s2, s17  }
0x8e: {  	[smem:$0x3FBC] =	sst s2  }
0x8f: {  	_ = 	snop  }
0x90: {  	s2 =	sld [smem:$0x3FD0];
	(tm) =	ssettm $0x1  }
0x91: {  	s18 =	sld [smem:$0x3FFB];
	_ =	sdelay $0x3  }
0x92: {  	_ =	strace s18  }
0x93: {  	s3 =	sld [smem:$0x3FFC];
	_ =	sdelay $0x3  }
0x94: {  	_ =	strace s3  }
0x95: {  	s3 =	sld [smem:$0x3FFD];
	_ =	sdelay $0x3  }
0x96: {  	_ =	strace s3  }
0x97: {  	_ =	strace $0x8FFFFFFF  }
0x98: {  	s19 =	sld [smem:$0x3FDB];
	_ =	sdelay $0x1  }
0x99: {  	s4 =	simm.s32 $_scs_section_size  }
0x9a: {  	s5 =	simm.s32 $_size__tile_overlayer_lowered;
	s6 =	simm.s32 $_tile_overlayer_lowered  }
0x9b: {  	s22 =	simm.s32 $0x1BFF;
	s21 =	sshll.u32 s6, $0x1;
	s3 =	sadd.s32 s4, s19  }
0x9c: {  	s7 =	simm.s32 $0x0;
	s20 =	sshll.u32 s5, $0x1;
	s5 =	sadd.s32 s21, s3  }
0x9d: {  	[timem:s7], [sflag:s22] =	dma.local [hbm:s5], s20  }
0x9e: {  	_ =	swait.ge [sflag:s22], s20  }
0x9f: {  	s4 =	ssub.s32 $0x0, s20;
	[sflag:s22] =	ssyncset.done $0x0  }
0xa0: {  	[sflag:s22] =	ssyncadd.s32 s4;
	_ =	sdelay $0x1  }
0xa1: {  	s23 =	simm.s32 $0x1B8B  }
0xa2: {  	_ =	swait.ge [sflag:s23], $0x1  }
0xa3: {  	[sflag:s23] =	ssyncset.done $0x0  }
0xa4: {  	s25 =	simm.s32 $0x1B8E;
	s24 =	sld [smem:$0x3FFE];
	[sflag:s23] =	ssyncadd.s32 $0xFFFFFFFF  }
0xa5: {  	s26 =	simm.s32 $execute0_lowered;
	[smem:$0x3FD2] =	sst s25  }
0xa6: {  	s5 =	sshll.u32 s26, $0x1;
	_ =	strace $0x80000046;
	[dreg:$0x1] =	wrdreg $0xFFFFFFFF  }
0xa7: {  	s28 =	simm.s32 $_size_execute0_lowered;
	s3 =	sadd.s32 s3, s5;
	[dreg:$0x0] =	wrdreg $0x0  }
0xa8: {  	s5 =	sshll.u32 s28, $0x1;
	[dreg:$0x2] =	wrdreg s3  }
0xa9: {  	[dreg:$0x3] =	wrdreg s5  }
0xaa: {  	[dreg:$0x4] =	wrdreg $0xC0  }
0xab: {  	_ =	task [dreg:s7], $0x5FFFF  }
0xac: {  	[dreg:$0x1] =	wrdreg $0xFFFFFFFF  }
0xad: {  	[dreg:$0x0] =	wrdreg $0x60  }
0xae: {  	[dreg:$0x2] =	wrdreg s24  }
0xaf: {  	[dreg:$0x3] =	wrdreg s2  }
0xb0: {  	[dreg:$0x4] =	wrdreg $0x9  }
0xb1: {  	_ =	task.clear_ibuf [dreg:s7], $0x5FFFF;
	_ =	strace $0x90000046  }
0xb2: {  	s29 =	simm.s32 $0x9;
	_ =	strace $0x80000048  }
0xb3: {  	_ =	swait.ge [sflag:s29], $0x1  }
0xb4: {  	[sflag:s29] =	ssyncadd.s32 $0xFFFFFFFF  }
0xb5: {  	_ =	strace $0x90000048  }
0xb6: {  	_ =	sfence  }
0xb7: {  	s30 =	sld [smem:$0x0];
	_ =	sdelay $0x2  }
0xb8: {  	s31 =	sshll.u32 s1, $0xD;
	s1 =	sshrl.u32 s1, $0x2  }
0xb9: {  	s3 =	sand.u32 $0x4000, s31;
	s1 =	sadd.s32 s1, s30  }
0xba: {  	s0 =	sor.u32 s3, s0;
	s1 =	sshll.u32 s1, $0x11  }
0xbb: {  	s0 =	sor.u32 s1, s0  }
0xbc: {  	s0 =	sadd.s32 $0x8F2B, s0  }
0xbd: {  	[sflag:s0] =	ssyncadd.remote.s32 $0x1  }
0xbe: {  	_ =	sfence.sel $0xFFFF  }
0xbf: {  	[dreg:$0x0] =	wrdreg $0xFFFFFFFF;
	(pc) =	sbr.abs _section_cstart, $3  }
0xc0: {  	[dreg:$0x1] =	wrdreg $0xFFFFFFFF  }
0xc1: {  	_ =	task.clear_ibuf [dreg:s7], $0x2FFFF;
	_ =	strace $0x9FFFFFFF  }
0xc2: {  	(tm) =	ssettm $0x7FFFFFFF  }
0xc3: {  	_ =	shalt  }
tec
execute0_lowered:
.L_overlay_start_1:
0x0: {  	(tag) =	ssettag $0x1  }
0x1: {  	s1 =	srdreg.scid  }
0x2: {  	s0 =	stileid.u32;
	s4 =	rddreg [dreg:$0x0]  }
0x3: {  	s3 =	rddreg [dreg:$0x1];
	s17 =	simm.s32 $0x880;
	s18 =	simm.s32 $0x1080  }
0x4: {  	s20 =	simm.s32 $0x1880;
	s21 =	simm.s32 $0x2080;
	s22 =	simm.s32 $0x2880  }
0x5: {  	s23 =	simm.s32 $0x3080;
	s24 =	simm.s32 $0x3880;
	s7 =	simm.s32 $0x3  }
0x6: {  	s25 =	simm.s32 $0x4080;
	s8 =	simm.s32 $0x1;
	s26 =	simm.s32 $0x4880  }
0x7: {  	s10 =	simm.s32 $0x5880;
	s1 =	sand.u32 $0x1, s1;
	s2 =	sshll.u32 s0, $0x1  }
0x8: {  	s11 =	simm.s32 $0x6080;
	s5 =	sor.u32 s1, s2;
	s2 =	simm.s32 $0x0  }
0x9: {  	s12 =	simm.s32 $0x6880;
	s13 =	simm.s32 $0x7080;
	[smem:$0x7FF] =	sst s2  }
0xa: {  	s14 =	simm.s32 $0x7880;
	_ =	strace $0x80000047;
	[dreg:$0x5] =	wrdreg s17  }
0xb: {  	s15 =	simm.s32 $0x8080;
	s16 =	simm.s32 $0x8880;
	[dreg:$0x6] =	wrdreg s18  }
0xc: {  	s28 =	simm.s32 $0xE080;
	s29 =	simm.s32 $0xE880;
	[dreg:$0x7] =	wrdreg s20  }
0xd: {  	s30 =	simm.s32 $0xF080;
	s31 =	simm.s32 $0xF880;
	[dreg:$0x8] =	wrdreg s21  }
0xe: {  	s1 =	ssub.s32 $0x2, s1;
	s6 =	sshll.u32 s5, $0xD;
	[dreg:$0x9] =	wrdreg s22  }
0xf: {  	s5 =	sshll.u32 s5, $0x4;
	s19 =	sshrl.u32 s1, $0x1;
	[dreg:$0xa] =	wrdreg s23  }
0x10: {  	s6 =	sadd.s32 s6, s4;
	s5 =	sadd.s32 s3, s5;
	[dreg:$0xb] =	wrdreg s24  }
0x11: {  	s3 =	sadd.s32 $0x42000, s4;
	s1 =	ssub.s32 s1, s19;
	[dreg:$0xc] =	wrdreg s25  }
0x12: {  	s4 =	sadd.s32 $0x42100, s4;
	[dreg:$0xd] =	wrdreg s26;
	s17 =	simm.s32 $0x9080  }
0x13: {  	s18 =	simm.s32 $0x9880;
	s19 =	simm.s32 $0xA080;
	s20 =	simm.s32 $0xA880  }
0x14: {  	s21 =	simm.s32 $0xB080;
	s22 =	simm.s32 $0xB880;
	s23 =	simm.s32 $0xC080  }
0x15: {  	v2 =	vlaneseq.u32;
	s24 =	simm.s32 $0xC880;
	s25 =	simm.s32 $0xD080;
	s26 =	simm.s32 $0xD880  }
0x16: {  	vm0 =	vmmov $0xffff;
	v1 =	vshrl.u32 v2, $0x3;
	s6 =	sadd.s32 $0x2000, s6;
	[dreg:$0x4] =	wrdreg s5;
	s5 =	smax.u32 s1, $0x1  }
0x17: {  	v0 =	vand.u32 $0x7, v2;
	v2 =	vor.u32 $0x8, v2;
	v1 =	vmul.u32 $0x8, v1;
	s1 =	simm.s32 $0x2;
	[dreg:$0x3] =	wrdreg s6;
	s6 =	simm.s32 $0x80  }
.LBB2_1:
0x18: {  	s0 =	rddreg [dreg:$0x3]  }
0x19: {  	[tilespmem:s6], [sflag:$0x1] =	stream.linear.gather [hbm4b:s0+s2], $0x10000, $0x38;
	[tilespmem:$0x10080] =	vst v63  }
0x1a: {  	s9 =	rddreg [dreg:$0x4]  }
0x1b: {  	[tilespmem:s2], [sflag:$0x3] =	stream.linear.gather [hbm4b:s9+s2], $0x80, $0x38;
	[tilespmem:$0x10080] =	vst v63  }
0x1c: {  	_ =	swait.ge [sflag:s7], $0x80  }
0x1d: {  	[sflag:s7] =	ssyncset.done $0x0  }
0x1e: {  	[sflag:s7] =	ssyncadd.s32 $0xFFFFFF80  }
0x1f: {  	_ =	swait.ge [sflag:s8], $0x10000  }
0x20: {  	[sflag:s8] =	ssyncset.done $0x0  }
0x21: {  	[sflag:s8] =	ssyncadd.s32 $0xFFFF0000  }
0x22: {  	v3 =	vld [tilespmem:$0x0];
	_ =	sdelay $0x4  }
0x23: {  	v4 =	vshll.u32 v3, $0x2  }
0x24: {  	v3 =	vand.u32 $0x7, v3;
	v4 =	vand.u32 $0xFFFFFFE0, v4  }
0x25: {  	v3 =	vor.u32 v3, v4  }
0x26: {  	v4 =	vperm.xlane v3, v0;
	_ =	sdelay $0x1  }
0x27: {  	v4 =	vadd.s32 v1, v4;
	_ =	sdelay $0x1  }
0x28: {  	v3 =	vperm.xlane v3, v2;
	_ =	sdelay $0x1  }
0x29: {  	v3 =	vadd.s32 v1, v3  }
0x2a: {  	[hbm4b:s3+s2] =	stream.indirect_vreg.scatter [tilespmem:s6], [sflag:$0x2], $0x80, v4, vm0, $0xb8;
	[tilespmem:$0x10080] =	vst v63  }
0x2b: {  	s0 =	rddreg [dreg:$0x5]  }
0x2c: {  	[hbm4b:s4+s2] =	stream.indirect_vreg.scatter [tilespmem:s0], [sflag:$0x2], $0x80, v4, vm0, $0xb8;
	[tilespmem:$0x10080] =	vst v63  }
0x2d: {  	s9 =	rddreg [dreg:$0x6]  }
0x2e: {  	[hbm4b:s3+s2] =	stream.indirect_vreg.scatter [tilespmem:s9], [sflag:$0x2], $0x80, v3, vm0, $0xb8;
	[tilespmem:$0x10080] =	vst v63  }
0x2f: {  	s0 =	rddreg [dreg:$0x7]  }
0x30: {  	[hbm4b:s4+s2] =	stream.indirect_vreg.scatter [tilespmem:s0], [sflag:$0x2], $0x80, v3, vm0, $0xb8;
	[tilespmem:$0x10080] =	vst v63  }
0x31: {  	v3 =	vld [tilespmem:$0x10];
	_ =	sdelay $0x4  }
0x32: {  	v57 =	vshll.u32 v3, $0x2  }
0x33: {  	v3 =	vand.u32 $0x7, v3;
	v4 =	vand.u32 $0xFFFFFFE0, v57  }
0x34: {  	v3 =	vor.u32 v3, v4  }
0x35: {  	v4 =	vperm.xlane v3, v0;
	_ =	sdelay $0x1  }
0x36: {  	v4 =	vadd.s32 v1, v4;
	_ =	sdelay $0x1  }
0x37: {  	v3 =	vperm.xlane v3, v2;
	_ =	sdelay $0x1  }
0x38: {  	s0 =	rddreg [dreg:$0x8];
	v3 =	vadd.s32 v1, v3  }
0x39: {  	[hbm4b:s3+s2] =	stream.indirect_vreg.scatter [tilespmem:s0], [sflag:$0x2], $0x80, v4, vm0, $0xb8;
	[tilespmem:$0x10080] =	vst v63  }
0x3a: {  	s9 =	rddreg [dreg:$0x9]  }
0x3b: {  	[hbm4b:s4+s2] =	stream.indirect_vreg.scatter [tilespmem:s9], [sflag:$0x2], $0x80, v4, vm0, $0xb8;
	[tilespmem:$0x10080] =	vst v63  }
0x3c: {  	s0 =	rddreg [dreg:$0xa]  }
0x3d: {  	[hbm4b:s3+s2] =	stream.indirect_vreg.scatter [tilespmem:s0], [sflag:$0x2], $0x80, v3, vm0, $0xb8;
	[tilespmem:$0x10080] =	vst v63  }
0x3e: {  	s9 =	rddreg [dreg:$0xb]  }
0x3f: {  	[hbm4b:s4+s2] =	stream.indirect_vreg.scatter [tilespmem:s9], [sflag:$0x2], $0x80, v3, vm0, $0xb8;
	[tilespmem:$0x10080] =	vst v63  }
0x40: {  	v3 =	vld [tilespmem:$0x20];
	_ =	sdelay $0x4  }
0x41: {  	v58 =	vshll.u32 v3, $0x2  }
0x42: {  	v3 =	vand.u32 $0x7, v3;
	v4 =	vand.u32 $0xFFFFFFE0, v58  }
0x43: {  	v3 =	vor.u32 v3, v4  }
0x44: {  	v4 =	vperm.xlane v3, v0;
	_ =	sdelay $0x1  }
0x45: {  	v4 =	vadd.s32 v1, v4;
	_ =	sdelay $0x1  }
0x46: {  	v3 =	vperm.xlane v3, v2;
	_ =	sdelay $0x1  }
0x47: {  	s0 =	rddreg [dreg:$0xc];
	v3 =	vadd.s32 v1, v3  }
0x48: {  	[hbm4b:s3+s2] =	stream.indirect_vreg.scatter [tilespmem:s0], [sflag:$0x2], $0x80, v4, vm0, $0xb8;
	[tilespmem:$0x10080] =	vst v63  }
0x49: {  	s9 =	rddreg [dreg:$0xd]  }
0x4a: {  	[hbm4b:s4+s2] =	stream.indirect_vreg.scatter [tilespmem:s9], [sflag:$0x2], $0x80, v4, vm0, $0xb8;
	[tilespmem:$0x10080] =	vst v63  }
0x4b: {  	s9 =	simm.s32 $0x5080  }
0x4c: {  	[hbm4b:s3+s2] =	stream.indirect_vreg.scatter [tilespmem:s9], [sflag:$0x2], $0x80, v3, vm0, $0xb8;
	[tilespmem:$0x10080] =	vst v63  }
0x4d: {  	_ = 	snop  }
0x4e: {  	[hbm4b:s4+s2] =	stream.indirect_vreg.scatter [tilespmem:s10], [sflag:$0x2], $0x80, v3, vm0, $0xb8;
	[tilespmem:$0x10080] =	vst v63  }
0x4f: {  	v3 =	vld [tilespmem:$0x30];
	_ =	sdelay $0x4  }
0x50: {  	v59 =	vshll.u32 v3, $0x2  }
0x51: {  	v3 =	vand.u32 $0x7, v3;
	v4 =	vand.u32 $0xFFFFFFE0, v59  }
0x52: {  	v3 =	vor.u32 v3, v4  }
0x53: {  	v4 =	vperm.xlane v3, v0;
	_ =	sdelay $0x1  }
0x54: {  	v4 =	vadd.s32 v1, v4;
	_ =	sdelay $0x1  }
0x55: {  	v3 =	vperm.xlane v3, v2;
	_ =	sdelay $0x1  }
0x56: {  	v3 =	vadd.s32 v1, v3  }
0x57: {  	[hbm4b:s3+s2] =	stream.indirect_vreg.scatter [tilespmem:s11], [sflag:$0x2], $0x80, v4, vm0, $0xb8;
	[tilespmem:$0x10080] =	vst v63  }
0x58: {  	_ = 	snop  }
0x59: {  	[hbm4b:s4+s2] =	stream.indirect_vreg.scatter [tilespmem:s12], [sflag:$0x2], $0x80, v4, vm0, $0xb8;
	[tilespmem:$0x10080] =	vst v63  }
0x5a: {  	_ = 	snop  }
0x5b: {  	[hbm4b:s3+s2] =	stream.indirect_vreg.scatter [tilespmem:s13], [sflag:$0x2], $0x80, v3, vm0, $0xb8;
	[tilespmem:$0x10080] =	vst v63  }
0x5c: {  	_ = 	snop  }
0x5d: {  	[hbm4b:s4+s2] =	stream.indirect_vreg.scatter [tilespmem:s14], [sflag:$0x2], $0x80, v3, vm0, $0xb8;
	[tilespmem:$0x10080] =	vst v63  }
0x5e: {  	v3 =	vld [tilespmem:$0x40];
	_ =	sdelay $0x4  }
0x5f: {  	v60 =	vshll.u32 v3, $0x2  }
0x60: {  	v3 =	vand.u32 $0x7, v3;
	v4 =	vand.u32 $0xFFFFFFE0, v60  }
0x61: {  	v3 =	vor.u32 v3, v4  }
0x62: {  	v4 =	vperm.xlane v3, v0;
	_ =	sdelay $0x1  }
0x63: {  	v4 =	vadd.s32 v1, v4;
	_ =	sdelay $0x1  }
0x64: {  	v3 =	vperm.xlane v3, v2;
	_ =	sdelay $0x1  }
0x65: {  	v3 =	vadd.s32 v1, v3  }
0x66: {  	[hbm4b:s3+s2] =	stream.indirect_vreg.scatter [tilespmem:s15], [sflag:$0x2], $0x80, v4, vm0, $0xb8;
	[tilespmem:$0x10080] =	vst v63  }
0x67: {  	_ = 	snop  }
0x68: {  	[hbm4b:s4+s2] =	stream.indirect_vreg.scatter [tilespmem:s16], [sflag:$0x2], $0x80, v4, vm0, $0xb8;
	[tilespmem:$0x10080] =	vst v63  }
0x69: {  	_ = 	snop  }
0x6a: {  	[hbm4b:s3+s2] =	stream.indirect_vreg.scatter [tilespmem:s17], [sflag:$0x2], $0x80, v3, vm0, $0xb8;
	[tilespmem:$0x10080] =	vst v63  }
0x6b: {  	_ = 	snop  }
0x6c: {  	[hbm4b:s4+s2] =	stream.indirect_vreg.scatter [tilespmem:s18], [sflag:$0x2], $0x80, v3, vm0, $0xb8;
	[tilespmem:$0x10080] =	vst v63  }
0x6d: {  	v3 =	vld [tilespmem:$0x50];
	_ =	sdelay $0x4  }
0x6e: {  	v61 =	vshll.u32 v3, $0x2  }
0x6f: {  	v3 =	vand.u32 $0x7, v3;
	v4 =	vand.u32 $0xFFFFFFE0, v61  }
0x70: {  	v3 =	vor.u32 v3, v4  }
0x71: {  	v4 =	vperm.xlane v3, v0;
	_ =	sdelay $0x1  }
0x72: {  	v4 =	vadd.s32 v1, v4;
	_ =	sdelay $0x1  }
0x73: {  	v3 =	vperm.xlane v3, v2;
	_ =	sdelay $0x1  }
0x74: {  	v3 =	vadd.s32 v1, v3  }
0x75: {  	[hbm4b:s3+s2] =	stream.indirect_vreg.scatter [tilespmem:s19], [sflag:$0x2], $0x80, v4, vm0, $0xb8;
	[tilespmem:$0x10080] =	vst v63  }
0x76: {  	_ = 	snop  }
0x77: {  	[hbm4b:s4+s2] =	stream.indirect_vreg.scatter [tilespmem:s20], [sflag:$0x2], $0x80, v4, vm0, $0xb8;
	[tilespmem:$0x10080] =	vst v63  }
0x78: {  	_ = 	snop  }
0x79: {  	[hbm4b:s3+s2] =	stream.indirect_vreg.scatter [tilespmem:s21], [sflag:$0x2], $0x80, v3, vm0, $0xb8;
	[tilespmem:$0x10080] =	vst v63  }
0x7a: {  	_ = 	snop  }
0x7b: {  	[hbm4b:s4+s2] =	stream.indirect_vreg.scatter [tilespmem:s22], [sflag:$0x2], $0x80, v3, vm0, $0xb8;
	[tilespmem:$0x10080] =	vst v63  }
0x7c: {  	v3 =	vld [tilespmem:$0x60];
	_ =	sdelay $0x4  }
0x7d: {  	v62 =	vshll.u32 v3, $0x2  }
0x7e: {  	v3 =	vand.u32 $0x7, v3;
	v4 =	vand.u32 $0xFFFFFFE0, v62  }
0x7f: {  	v3 =	vor.u32 v3, v4  }
0x80: {  	v4 =	vperm.xlane v3, v0;
	_ =	sdelay $0x1  }
0x81: {  	v4 =	vadd.s32 v1, v4;
	_ =	sdelay $0x1  }
0x82: {  	v3 =	vperm.xlane v3, v2;
	_ =	sdelay $0x1  }
0x83: {  	v3 =	vadd.s32 v1, v3  }
0x84: {  	[hbm4b:s3+s2] =	stream.indirect_vreg.scatter [tilespmem:s23], [sflag:$0x2], $0x80, v4, vm0, $0xb8;
	[tilespmem:$0x10080] =	vst v63  }
0x85: {  	_ = 	snop  }
0x86: {  	[hbm4b:s4+s2] =	stream.indirect_vreg.scatter [tilespmem:s24], [sflag:$0x2], $0x80, v4, vm0, $0xb8;
	[tilespmem:$0x10080] =	vst v63  }
0x87: {  	_ = 	snop  }
0x88: {  	[hbm4b:s3+s2] =	stream.indirect_vreg.scatter [tilespmem:s25], [sflag:$0x2], $0x80, v3, vm0, $0xb8;
	[tilespmem:$0x10080] =	vst v63  }
0x89: {  	_ = 	snop  }
0x8a: {  	[hbm4b:s4+s2] =	stream.indirect_vreg.scatter [tilespmem:s26], [sflag:$0x2], $0x80, v3, vm0, $0xb8;
	[tilespmem:$0x10080] =	vst v63  }
0x8b: {  	v3 =	vld [tilespmem:$0x70];
	_ =	sdelay $0x4  }
0x8c: {  	v63 =	vshll.u32 v3, $0x2  }
0x8d: {  	v3 =	vand.u32 $0x7, v3;
	v4 =	vand.u32 $0xFFFFFFE0, v63  }
0x8e: {  	v3 =	vor.u32 v3, v4  }
0x8f: {  	v4 =	vperm.xlane v3, v0;
	_ =	sdelay $0x1  }
0x90: {  	v4 =	vadd.s32 v1, v4;
	_ =	sdelay $0x1  }
0x91: {  	v3 =	vperm.xlane v3, v2;
	_ =	sdelay $0x1  }
0x92: {  	v3 =	vadd.s32 v1, v3  }
0x93: {  	[hbm4b:s3+s2] =	stream.indirect_vreg.scatter [tilespmem:s28], [sflag:$0x2], $0x80, v4, vm0, $0xb8;
	[tilespmem:$0x10080] =	vst v63  }
0x94: {  	_ = 	snop  }
0x95: {  	[hbm4b:s4+s2] =	stream.indirect_vreg.scatter [tilespmem:s29], [sflag:$0x2], $0x80, v4, vm0, $0xb8;
	[tilespmem:$0x10080] =	vst v63  }
0x96: {  	p0 =	sne.s32 s5, $0x1  }
0x97: {  	[hbm4b:s3+s2] =	stream.indirect_vreg.scatter [tilespmem:s30], [sflag:$0x2], $0x80, v3, vm0, $0xb8;
	[tilespmem:$0x10080] =	vst v63  }
.Ltmp0:
0x98: {  	_ = 	snop;
	(pc) =	sbr.rel @p0 .LBB2_1-.Ltmp0, $4  }
0x99: {  	[hbm4b:s4+s2] =	stream.indirect_vreg.scatter [tilespmem:s31], [sflag:$0x2], $0x80, v3, vm0, $0xb8;
	[tilespmem:$0x10080] =	vst v63  }
0x9a: {  	_ =	swait.ge [sflag:s1], $0x10000  }
0x9b: {  	[sflag:s1] =	ssyncset.done $0x0  }
0x9c: {  	s5 =	sadd.s32 $0xFFFFFFFF, s5;
	[sflag:s1] =	ssyncadd.s32 $0xFFFF0000  }
0x9d: {  	_ =	sfence.sel $0x180000  }
0x9e: {  	[bflag:$0x0] =	sbarrier.arrive $0xFFFF  }
0x9f: {  	_ =	strace $0x90000047  }
0xa0: {  	s0 =	stileid.u32;
	[bflag:$0x2] =	sbarrier.arrive $0xFFFF  }
0xa1: {  	p0 =	sne.s32 s0, $0x0;
	s0 =	rddreg [dreg:$0x2]  }
0xa2: {  	s0 =	sadd.s32 @!p0 $0x100000, s0  }
0xa3: {  	[sflag:s0] =	ssyncadd.tile.s32 @!p0 $0x1;
	_ =	shalt  }
.Lfunc_end2:
_tile_overlayer_lowered:
.L_overlay_start_2:
0xa4: {  	(tag) =	ssettag $0x2  }
0xa5: {  	s0 =	rddreg [dreg:$0x0];
	s2 =	stileid.u32  }
0xa6: {  	s1 =	rddreg [dreg:$0x1];
	p0 =	sne.s32 s2, $0x0  }
0xa7: {  	s3 =	rddreg [dreg:$0x2];
	[bflag:$0x3] =	sbarrier.arrive $0xFFFF;
	s2 =	simm.s32 @!p0 $0x1C03  }
0xa8: {  	[timem:s3], [sflag:s2] =	dma.local @!p0 [hbm:s0], s1  }
0xa9: {  	s0 =	simm.s32 @!p0 $0x3  }
0xaa: {  	_ =	swait.ge @!p0 [sflag:s0], s1  }
0xab: {  	s1 =	ssub.s32 @!p0 $0x0, s1;
	[sflag:s0] =	ssyncset.done @!p0 $0x0  }
0xac: {  	[sflag:s0] =	ssyncadd.s32 @!p0 s1  }
0xad: {  	[bflag:$0x3] =	sbarrier.arrive $0xFFFF  }
0xae: {  	_ =	shalt  }

</sc_bundles>
